<compile_context>
chip_gen: v7x
topology: tpu7x:2x2x1
jax: 0.10.2.dev20260603
libtpu: 0.0.44.dev20260713+nightly
codegen_flags: <defaults>
</compile_context>

<pallas_src>
import functools

import jax
import jax.numpy as jnp
from jax import lax
from jax.experimental import pallas as pl
from jax.experimental.pallas import tpu as pltpu
from jax.experimental.pallas import tpu_sc as plsc

N = 10000
E = 320000
D = 128
H = 64
G = 128

NC = 2
NS = 16
NW = NC * NS
N_PAD = 10240
ROWS_PER_SUB = N_PAD // NS
CH = 128
C0 = 80
C1 = 80
CMAX = max(C0, C1)
E_PAD = NS * (C0 + C1) * CH
RB = 1280
GRID = N_PAD // RB


@functools.cache
def _make_sc_pass(h):
    mesh = plsc.VectorSubcoreMesh(core_axis_name="c", subcore_axis_name="s")

    @functools.partial(
        pl.kernel,
        out_type=jax.ShapeDtypeStruct((NC, N_PAD, h), jnp.float32),
        mesh=mesh,
        scratch_types=[
            pltpu.VMEM((CMAX, CH), jnp.int32),
            pltpu.VMEM((CMAX, CH), jnp.int32),
            pltpu.VMEM((CH, h), jnp.float32),
            pltpu.VMEM((CH, h), jnp.float32),
            pltpu.VMEM_SHARED((N_PAD, h), jnp.float32),
            pltpu.SemaphoreType.DMA,
            pltpu.SemaphoreType.DMA,
        ],
        compiler_params=pltpu.CompilerParams(use_tc_tiling_on_sc=False),
    )
    def sc_pass(table, src_g, dst_g, out, src_v, dst_v, buf0, buf1, acc,
                sem0, sem1):
        cid = lax.axis_index("c")
        sid = lax.axis_index("s")
        wid = sid * NC + cid
        r0 = sid * ROWS_PER_SUB
        nch2 = jnp.where(cid == 0, C0 // 2, C1 // 2)
        pltpu.sync_copy(table.at[pl.ds(r0, ROWS_PER_SUB)],
                        acc.at[pl.ds(r0, ROWS_PER_SUB)])
        pltpu.sync_copy(src_g.at[wid], src_v)
        pltpu.sync_copy(dst_g.at[wid], dst_v)
        plsc.subcore_barrier()

        pltpu.async_copy(table.at[src_v.at[0]], buf0, sem0)

        def body(j, carry):
            i = j * 2
            pltpu.async_copy(table.at[src_v.at[i + 1]], buf1, sem1)
            pltpu.make_async_copy(table.at[src_v.at[0]], buf0, sem0).wait()
            pltpu.sync_copy(buf0, acc.at[dst_v.at[i]], add=True)

            @pl.when(j < nch2 - 1)
            def _():
                pltpu.async_copy(table.at[src_v.at[i + 2]], buf0, sem0)

            pltpu.make_async_copy(table.at[src_v.at[0]], buf1, sem1).wait()
            pltpu.sync_copy(buf1, acc.at[dst_v.at[i + 1]], add=True)
            return carry

        lax.fori_loop(0, nch2, body, 0)
        plsc.subcore_barrier()
        pltpu.sync_copy(acc.at[pl.ds(r0, ROWS_PER_SUB)],
                        out.at[cid, pl.ds(r0, ROWS_PER_SUB)])

    return sc_pass


@functools.cache
def _make_sc_deg():
    h = 16
    mesh = plsc.VectorSubcoreMesh(core_axis_name="c", subcore_axis_name="s")

    @functools.partial(
        pl.kernel,
        out_type=jax.ShapeDtypeStruct((NC, N_PAD, h), jnp.float32),
        mesh=mesh,
        scratch_types=[
            pltpu.VMEM((CMAX, CH), jnp.int32),
            pltpu.VMEM((CH, h), jnp.float32),
            pltpu.VMEM_SHARED((N_PAD, h), jnp.float32),
        ],
        compiler_params=pltpu.CompilerParams(use_tc_tiling_on_sc=False),
    )
    def sc_deg(ones16, dst_g, out, dst_v, ones_v, acc):
        cid = lax.axis_index("c")
        sid = lax.axis_index("s")
        wid = sid * NC + cid
        r0 = sid * ROWS_PER_SUB
        nch = jnp.where(cid == 0, C0, C1)
        pltpu.sync_copy(ones16.at[pl.ds(r0, ROWS_PER_SUB)],
                        acc.at[pl.ds(r0, ROWS_PER_SUB)])
        pltpu.sync_copy(ones16.at[pl.ds(0, CH)], ones_v)
        pltpu.sync_copy(dst_g.at[wid], dst_v)
        plsc.subcore_barrier()

        def body(i, carry):
            pltpu.sync_copy(ones_v, acc.at[dst_v.at[i]], add=True)
            return carry

        lax.fori_loop(0, nch, body, 0)
        plsc.subcore_barrier()
        pltpu.sync_copy(acc.at[pl.ds(r0, ROWS_PER_SUB)],
                        out.at[cid, pl.ds(r0, ROWS_PER_SUB)])

    return sc_deg


def _sc_pass64(table, src_g, dst_g):
    return _make_sc_pass(H)(table, src_g, dst_g)


def _tc_first(dp0, dp1, x, w1):

    def body(dp0_r, dp1_r, x_r, w1_r, dinv_r, hws_r):
        degt = dp0_r[...][:, 0:1] + dp1_r[...][:, 0:1] - 1.0
        r = lax.rsqrt(degt)
        dinv = r * (1.5 - 0.5 * degt * r * r)
        dinv_r[...] = dinv
        hws_r[...] = dinv * jnp.dot(x_r[...], w1_r[...],
                                    preferred_element_type=jnp.float32)

    return pl.pallas_call(
        body,
        grid=(GRID,),
        in_specs=[
            pl.BlockSpec((RB, 16), lambda i: (i, 0)),
            pl.BlockSpec((RB, 16), lambda i: (i, 0)),
            pl.BlockSpec((RB, D), lambda i: (i, 0)),
            pl.BlockSpec((D, H), lambda i: (0, 0)),
        ],
        out_specs=[
            pl.BlockSpec((RB, 1), lambda i: (i, 0)),
            pl.BlockSpec((RB, H), lambda i: (i, 0)),
        ],
        out_shape=[
            jax.ShapeDtypeStruct((N_PAD, 1), jnp.float32),
            jax.ShapeDtypeStruct((N_PAD, H), jnp.float32),
        ],
    )(dp0, dp1, x, w1)


def _tc_layer(p0, p1, hws, dinv, b, w):

    def body(p0_r, p1_r, hws_r, dinv_r, b_r, w_r, out_r):
        dinv = dinv_r[...]
        agg = p0_r[...] + p1_r[...] - hws_r[...]
        hrelu = jnp.maximum(dinv * agg + b_r[...], 0.0)
        out_r[...] = dinv * jnp.dot(hrelu, w_r[...],
                                    preferred_element_type=jnp.float32)

    return pl.pallas_call(
        body,
        grid=(GRID,),
        in_specs=[
            pl.BlockSpec((RB, H), lambda i: (i, 0)),
            pl.BlockSpec((RB, H), lambda i: (i, 0)),
            pl.BlockSpec((RB, H), lambda i: (i, 0)),
            pl.BlockSpec((RB, 1), lambda i: (i, 0)),
            pl.BlockSpec((1, H), lambda i: (0, 0)),
            pl.BlockSpec((H, H), lambda i: (0, 0)),
        ],
        out_specs=pl.BlockSpec((RB, H), lambda i: (i, 0)),
        out_shape=jax.ShapeDtypeStruct((N_PAD, H), jnp.float32),
    )(p0, p1, hws, dinv, b, w)


def _tc_pool(q0, q1, hws3, dinv, batch2, b3, wl, bl):

    def body(q0_r, q1_r, hws_r, dinv_r, batch_r, b3_r, wl_r, bl_r, out_r,
             sums, cnt):
        i = pl.program_id(0)

        @pl.when(i == 0)
        def _():
            sums[...] = jnp.zeros_like(sums)
            cnt[...] = jnp.zeros_like(cnt)

        h3 = dinv_r[...] * (q0_r[...] + q1_r[...] - hws_r[...]) + b3_r[...]
        mask = (batch_r[...] == lax.broadcasted_iota(jnp.int32, (RB, G), 1)
                ).astype(jnp.float32)
        dn = (((0,), (0,)), ((), ()))
        sums[...] += lax.dot_general(mask, h3, dn,
                                     preferred_element_type=jnp.float32,
                                     precision=lax.Precision.HIGHEST)
        cnt[...] += lax.dot_general(mask, jnp.ones((RB, 1), jnp.float32), dn,
                                    preferred_element_type=jnp.float32,
                                    precision=lax.Precision.HIGHEST)

        @pl.when(i == pl.num_programs(0) - 1)
        def _():
            pooled = sums[...] / jnp.maximum(cnt[...], 1.0)
            out_r[...] = jnp.dot(pooled, wl_r[...],
                                 preferred_element_type=jnp.float32) + bl_r[...]

    return pl.pallas_call(
        body,
        grid=(GRID,),
        in_specs=[
            pl.BlockSpec((RB, H), lambda i: (i, 0)),
            pl.BlockSpec((RB, H), lambda i: (i, 0)),
            pl.BlockSpec((RB, H), lambda i: (i, 0)),
            pl.BlockSpec((RB, 1), lambda i: (i, 0)),
            pl.BlockSpec((RB, 1), lambda i: (i, 0)),
            pl.BlockSpec((1, H), lambda i: (0, 0)),
            pl.BlockSpec((H, 1), lambda i: (0, 0)),
            pl.BlockSpec((1, 1), lambda i: (0, 0)),
        ],
        out_specs=pl.BlockSpec((G, 1), lambda i: (0, 0)),
        out_shape=jax.ShapeDtypeStruct((G, 1), jnp.float32),
        scratch_shapes=[
            pltpu.VMEM((G, H), jnp.float32),
            pltpu.VMEM((G, 1), jnp.float32),
        ],
    )(q0, q1, hws3, dinv, batch2, b3, wl, bl)


def _group_edges(idx):
    pad = jnp.full((E_PAD - E,), N, jnp.int32)
    flat = jnp.concatenate([idx, pad])
    n0 = NS * C0 * CH
    g0 = flat[:n0].reshape(NS, C0, CH)
    g1 = flat[n0:].reshape(NS, C1, CH)
    if C0 > C1:
        g1 = jnp.concatenate(
            [g1, jnp.full((NS, C0 - C1, CH), N, jnp.int32)], axis=1)
    elif C1 > C0:
        g0 = jnp.concatenate(
            [g0, jnp.full((NS, C1 - C0, CH), N, jnp.int32)], axis=1)
    return jnp.stack([g0, g1], axis=1).reshape(NW, CMAX, CH)


def kernel(x, edge_index, edge_attr, batch, W1, b1, W2, b2, W3, b3, Wl, bl):
    src = edge_index[0].astype(jnp.int32)
    dst = edge_index[1].astype(jnp.int32)
    src_g = _group_edges(src)
    dst_g = _group_edges(dst)
    x_pad = jnp.zeros((N_PAD, D), jnp.float32).at[:N].set(x)
    batch2 = jnp.concatenate(
        [batch.astype(jnp.int32), jnp.full((N_PAD - N,), G, jnp.int32)]
    ).reshape(N_PAD, 1)
    ones16 = jnp.ones((N_PAD, 16), jnp.float32)

    dp = _make_sc_deg()(ones16, dst_g)
    dinv, hws1 = _tc_first(dp[0], dp[1], x_pad, W1)
    p1 = _sc_pass64(hws1, src_g, dst_g)
    hws2 = _tc_layer(p1[0], p1[1], hws1, dinv, b1.reshape(1, H), W2)
    p2 = _sc_pass64(hws2, src_g, dst_g)
    hws3 = _tc_layer(p2[0], p2[1], hws2, dinv, b2.reshape(1, H), W3)
    q = _sc_pass64(hws3, src_g, dst_g)
    out = _tc_pool(q[0], q[1], hws3, dinv, batch2, b3.reshape(1, H), Wl,
                   bl.reshape(1, 1))
    return out

# --- scband reference (transcript-rebuilt; emitter-appended) ---
"""Pipeline reference for scband-farmaco-net-completa-48790828482639 (READ-ONLY COPY).

The authoritative reference and input builder live on the scoring server;
editing this copy changes nothing except your own understanding.
"""

import jax, jax.numpy as jnp
import numpy as np

N = 10000
E = 320000
D = 128
H = 64
G = 128


def _gcn_conv(x, src, dst, W, b):
    # PyG GCNConv: add self-loops, symmetric normalization, then aggregate
    h = x @ W
    deg = jax.ops.segment_sum(jnp.ones_like(dst, dtype=h.dtype), dst, num_segments=N)
    dinv = jnp.where(deg > 0, 1.0 / jnp.sqrt(deg), 0.0)
    norm = dinv[src] * dinv[dst]
    msg = h[src] * norm[:, None]
    out = jax.ops.segment_sum(msg, dst, num_segments=N)
    return out + b


def setup_inputs(seed: int = 0) -> dict:
    key = jax.random.key(seed)
    ks = jax.random.split(key, 12)
    x = jax.random.normal(ks[0], (N, D), dtype=jnp.float32)
    edge_index = jax.random.randint(ks[1], (2, E), 0, N)
    edge_attr = jax.random.normal(ks[2], (E, 4), dtype=jnp.float32)
    batch = jnp.sort(jax.random.randint(ks[3], (N,), 0, G))
    s = 0.1
    W1 = jax.random.normal(ks[4], (D, H), dtype=jnp.float32) * s
    b1 = jnp.zeros((H,), dtype=jnp.float32)
    W2 = jax.random.normal(ks[5], (H, H), dtype=jnp.float32) * s
    b2 = jnp.zeros((H,), dtype=jnp.float32)
    W3 = jax.random.normal(ks[6], (H, H), dtype=jnp.float32) * s
    b3 = jnp.zeros((H,), dtype=jnp.float32)
    Wl = jax.random.normal(ks[7], (H, 1), dtype=jnp.float32) * s
    bl = jnp.zeros((1,), dtype=jnp.float32)
    return {"x": x, "edge_index": edge_index, "edge_attr": edge_attr, "batch": batch,
            "W1": W1, "b1": b1, "W2": W2, "b2": b2, "W3": W3, "b3": b3, "Wl": Wl, "bl": bl}


def reference(x, edge_index, edge_attr, batch, W1, b1, W2, b2, W3, b3, Wl, bl):
    # self-loops added once (shared by all three convs)
    loop = jnp.arange(N)
    src = jnp.concatenate([edge_index[0], loop])
    dst = jnp.concatenate([edge_index[1], loop])
    h = jax.nn.relu(_gcn_conv(x, src, dst, W1, b1))
    h = jax.nn.relu(_gcn_conv(h, src, dst, W2, b2))
    h = _gcn_conv(h, src, dst, W3, b3)
    # global_mean_pool over batch vector
    sums = jax.ops.segment_sum(h, batch, num_segments=G)
    cnt = jax.ops.segment_sum(jnp.ones((N,), dtype=h.dtype), batch, num_segments=G)
    pooled = sums / jnp.maximum(cnt, 1.0)[:, None]
    # dropout is identity in eval mode
    out = pooled @ Wl + bl
    return out

if __name__ == "__main__":
    import jax
    _d = setup_inputs()
    print(jax.jit(kernel)(*tuple(_d.values())))

</pallas_src>

<mosaic_0001>
#map = affine_map<(d0, d1) -> (0, 0)>
#map1 = affine_map<(d0, d1) -> (0, 0, 0)>
module attributes {stable_mosaic.version = 14 : i64} {
  func.func @sc_deg(%arg0: i32, %arg1: i32, %arg2: memref<10240x16xf32, #tpu.memory_space<hbm>>, %arg3: memref<32x80x128xi32, #tpu.memory_space<hbm>>, %arg4: memref<2x10240x16xf32, #tpu.memory_space<hbm>>, %arg5: memref<80x128xi32, #tpu.memory_space<vmem>>, %arg6: memref<128x16xf32, #tpu.memory_space<vmem>>, %arg7: memref<10240x16xf32, #tpu.memory_space<vmem_shared>>) attributes {dimension_semantics = [#tpu.dimension_semantics<core_parallel>, #tpu.dimension_semantics<subcore_parallel>], iteration_bounds = array<i64: 2, 16>, scalar_prefetch = 0 : i64, scratch_operands = 3 : i64, tpu.core_type = #tpu.core_type<sc_vector_subcore>, window_params = [{transform_indices = #map}, {transform_indices = #map1}, {transform_indices = #map1}]} {
    %mul3A = arith.constant 2 : i32
    %mul3A_0 = arith.muli %arg1, %mul3A : i32
    %add3A = arith.addi %mul3A_0, %arg0 : i32
    %mul3A_1 = arith.constant 640 : i32
    %mul3A_2 = arith.muli %arg1, %mul3A_1 : i32
    %eq3A = arith.constant 0 : i32
    %eq3A_3 = arith.cmpi eq, %arg0, %eq3A : i32
    %jit3A = arith.constant 80 : i32
    %jit3A_4 = arith.constant 80 : i32
    %select_n3A = arith.select %eq3A_3, %jit3A, %jit3A_4 : i32
    "tpu.region"() ({
      %run_scoped3A = tpu.sem_alloc : memref<!tpu.dma_semaphore, #tpu.memory_space<semaphore_mem>>
      %dma_start3A = arith.constant 0 : i32
      %dma_start3A_15 = tpu.memref_slice %arg7[%mul3A_2, %dma_start3A] : memref<10240x16xf32, #tpu.memory_space<vmem_shared>> -> memref<640x16xf32, #tpu.memory_space<vmem_shared>>
      %dma_start3A_16 = arith.constant 0 : i32
      %dma_start3A_17 = tpu.memref_slice %arg2[%mul3A_2, %dma_start3A_16] : memref<10240x16xf32, #tpu.memory_space<hbm>> -> memref<640x16xf32, #tpu.memory_space<hbm>>
      tpu.enqueue_dma source(%dma_start3A_17 : memref<640x16xf32, #tpu.memory_space<hbm>>) target(%dma_start3A_15 : memref<640x16xf32, #tpu.memory_space<vmem_shared>>) target_semaphore(%run_scoped3A : memref<!tpu.dma_semaphore, #tpu.memory_space<semaphore_mem>>)
      %dma_wait3A = arith.constant 0 : i32
      %dma_wait3A_18 = tpu.memref_slice %arg7[%mul3A_2, %dma_wait3A] : memref<10240x16xf32, #tpu.memory_space<vmem_shared>> -> memref<640x16xf32, #tpu.memory_space<vmem_shared>>
      %dma_wait3A_19 = arith.constant 0 : i32
      %dma_wait3A_20 = tpu.memref_slice %arg2[%mul3A_2, %dma_wait3A_19] : memref<10240x16xf32, #tpu.memory_space<hbm>> -> memref<640x16xf32, #tpu.memory_space<hbm>>
      tpu.wait_dma2 semaphore(%run_scoped3A : memref<!tpu.dma_semaphore, #tpu.memory_space<semaphore_mem>>) src(%dma_wait3A_20 : memref<640x16xf32, #tpu.memory_space<hbm>>) dst(%dma_wait3A_18 : memref<640x16xf32, #tpu.memory_space<vmem_shared>>)
      tpu.yield
    }) : () -> ()
    "tpu.region"() ({
      %run_scoped3A = tpu.sem_alloc : memref<!tpu.dma_semaphore, #tpu.memory_space<semaphore_mem>>
      %dma_start3A = arith.constant 0 : i32
      %dma_start3A_15 = arith.constant 0 : i32
      %dma_start3A_16 = tpu.memref_slice %arg2[%dma_start3A, %dma_start3A_15] : memref<10240x16xf32, #tpu.memory_space<hbm>> -> memref<128x16xf32, #tpu.memory_space<hbm>>
      %dma_start3A_17 = arith.constant 0 : i32
      %dma_start3A_18 = arith.constant 0 : i32
      %dma_start3A_19 = tpu.memref_slice %arg2[%dma_start3A_17, %dma_start3A_18] : memref<10240x16xf32, #tpu.memory_space<hbm>> -> memref<128x16xf32, #tpu.memory_space<hbm>>
      tpu.enqueue_dma source(%dma_start3A_19 : memref<128x16xf32, #tpu.memory_space<hbm>>) target(%arg6 : memref<128x16xf32, #tpu.memory_space<vmem>>) target_semaphore(%run_scoped3A : memref<!tpu.dma_semaphore, #tpu.memory_space<semaphore_mem>>)
      %dma_wait3A = arith.constant 0 : i32
      %dma_wait3A_20 = arith.constant 0 : i32
      %dma_wait3A_21 = tpu.memref_slice %arg2[%dma_wait3A, %dma_wait3A_20] : memref<10240x16xf32, #tpu.memory_space<hbm>> -> memref<128x16xf32, #tpu.memory_space<hbm>>
      %dma_wait3A_22 = arith.constant 0 : i32
      %dma_wait3A_23 = arith.constant 0 : i32
      %dma_wait3A_24 = tpu.memref_slice %arg2[%dma_wait3A_22, %dma_wait3A_23] : memref<10240x16xf32, #tpu.memory_space<hbm>> -> memref<128x16xf32, #tpu.memory_space<hbm>>
      tpu.wait_dma2 semaphore(%run_scoped3A : memref<!tpu.dma_semaphore, #tpu.memory_space<semaphore_mem>>) src(%dma_wait3A_24 : memref<128x16xf32, #tpu.memory_space<hbm>>) dst(%arg6 : memref<128x16xf32, #tpu.memory_space<vmem>>)
      tpu.yield
    }) : () -> ()
    "tpu.region"() ({
      %run_scoped3A = tpu.sem_alloc : memref<!tpu.dma_semaphore, #tpu.memory_space<semaphore_mem>>
      %dma_start3A = arith.constant 0 : i32
      %dma_start3A_15 = arith.constant 0 : i32
      %dma_start3A_16 = tpu.memref_slice %arg3[%add3A, %dma_start3A, %dma_start3A_15] : memref<32x80x128xi32, #tpu.memory_space<hbm>> -> memref<1x80x128xi32, #tpu.memory_space<hbm>>
      %dma_start3A_17 = tpu.memref_squeeze %dma_start3A_16 : memref<1x80x128xi32, #tpu.memory_space<hbm>> -> memref<80x128xi32, #tpu.memory_space<hbm>>
      %dma_start3A_18 = arith.constant 0 : i32
      %dma_start3A_19 = arith.constant 0 : i32
      %dma_start3A_20 = tpu.memref_slice %arg3[%add3A, %dma_start3A_18, %dma_start3A_19] : memref<32x80x128xi32, #tpu.memory_space<hbm>> -> memref<1x80x128xi32, #tpu.memory_space<hbm>>
      %dma_start3A_21 = tpu.memref_squeeze %dma_start3A_20 : memref<1x80x128xi32, #tpu.memory_space<hbm>> -> memref<80x128xi32, #tpu.memory_space<hbm>>
      tpu.enqueue_dma source(%dma_start3A_21 : memref<80x128xi32, #tpu.memory_space<hbm>>) target(%arg5 : memref<80x128xi32, #tpu.memory_space<vmem>>) target_semaphore(%run_scoped3A : memref<!tpu.dma_semaphore, #tpu.memory_space<semaphore_mem>>)
      %dma_wait3A = arith.constant 0 : i32
      %dma_wait3A_22 = arith.constant 0 : i32
      %dma_wait3A_23 = tpu.memref_slice %arg3[%add3A, %dma_wait3A, %dma_wait3A_22] : memref<32x80x128xi32, #tpu.memory_space<hbm>> -> memref<1x80x128xi32, #tpu.memory_space<hbm>>
      %dma_wait3A_24 = tpu.memref_squeeze %dma_wait3A_23 : memref<1x80x128xi32, #tpu.memory_space<hbm>> -> memref<80x128xi32, #tpu.memory_space<hbm>>
      %dma_wait3A_25 = arith.constant 0 : i32
      %dma_wait3A_26 = arith.constant 0 : i32
      %dma_wait3A_27 = tpu.memref_slice %arg3[%add3A, %dma_wait3A_25, %dma_wait3A_26] : memref<32x80x128xi32, #tpu.memory_space<hbm>> -> memref<1x80x128xi32, #tpu.memory_space<hbm>>
      %dma_wait3A_28 = tpu.memref_squeeze %dma_wait3A_27 : memref<1x80x128xi32, #tpu.memory_space<hbm>> -> memref<80x128xi32, #tpu.memory_space<hbm>>
      tpu.wait_dma2 semaphore(%run_scoped3A : memref<!tpu.dma_semaphore, #tpu.memory_space<semaphore_mem>>) src(%dma_wait3A_28 : memref<80x128xi32, #tpu.memory_space<hbm>>) dst(%arg5 : memref<80x128xi32, #tpu.memory_space<vmem>>)
      tpu.yield
    }) : () -> ()
    %barrier3A = arith.constant 0 : index
    tpu.barrier barrier_id(%barrier3A)
    %while3A = arith.constant 0 : i32
    %while3A_5 = arith.constant 0 : i32
    %while3A_6 = arith.subi %select_n3A, %while3A_5 : i32
    %while3A_7 = arith.addi %while3A_5, %while3A_6 : i32
    %while3A_8 = arith.constant 1 : i32
    %while3A_9 = arith.divsi %while3A_6, %while3A_8 : i32
    %while3A_10 = arith.muli %while3A_9, %while3A_8 : i32
    %while3A_11 = arith.addi %while3A_5, %while3A_10 : i32
    %while3A_12 = arith.constant 1 : i32
    scf.for %while3A_15 = %while3A_5 to %while3A_11 step %while3A_12  : i32 {
      "tpu.region"() ({
        %run_scoped3A = tpu.sem_alloc : memref<!tpu.dma_semaphore, #tpu.memory_space<semaphore_mem>>
        %dma_start3A = arith.constant 0 : i32
        %dma_start3A_16 = tpu.memref_slice %arg5[%while3A_15, %dma_start3A] : memref<80x128xi32, #tpu.memory_space<vmem>> -> memref<1x128xi32, #tpu.memory_space<vmem>>
        %dma_start3A_17 = tpu.memref_squeeze %dma_start3A_16 : memref<1x128xi32, #tpu.memory_space<vmem>> -> memref<128xi32, #tpu.memory_space<vmem>>
        %dma_start3A_18 = arith.constant 0 : i32
        %dma_start3A_19 = arith.constant 0 : i32
        %dma_start3A_20 = tpu.memref_slice %arg7[%dma_start3A_18, %dma_start3A_19] : memref<10240x16xf32, #tpu.memory_space<vmem_shared>> -> memref<10240x16xf32, #tpu.memory_space<vmem_shared>>
        tpu.enqueue_indirect_dma source(%arg6 : memref<128x16xf32, #tpu.memory_space<vmem>>) target(%dma_start3A_20 : memref<10240x16xf32, #tpu.memory_space<vmem_shared>>) offsets(%dma_start3A_17 : memref<128xi32, #tpu.memory_space<vmem>>) semaphore(%run_scoped3A : memref<!tpu.dma_semaphore, #tpu.memory_space<semaphore_mem>>) {add = true}
        %dma_wait3A = arith.constant 0 : i32
        %dma_wait3A_21 = tpu.memref_slice %arg5[%while3A_15, %dma_wait3A] : memref<80x128xi32, #tpu.memory_space<vmem>> -> memref<1x128xi32, #tpu.memory_space<vmem>>
        %dma_wait3A_22 = tpu.memref_squeeze %dma_wait3A_21 : memref<1x128xi32, #tpu.memory_space<vmem>> -> memref<128xi32, #tpu.memory_space<vmem>>
        %dma_wait3A_23 = arith.constant 0 : i32
        %dma_wait3A_24 = arith.constant 0 : i32
        %dma_wait3A_25 = tpu.memref_slice %arg7[%dma_wait3A_23, %dma_wait3A_24] : memref<10240x16xf32, #tpu.memory_space<vmem_shared>> -> memref<10240x16xf32, #tpu.memory_space<vmem_shared>>
        tpu.wait_indirect_dma semaphore(%run_scoped3A : memref<!tpu.dma_semaphore, #tpu.memory_space<semaphore_mem>>) src(%arg6 : memref<128x16xf32, #tpu.memory_space<vmem>>) dst(%dma_wait3A_25 : memref<10240x16xf32, #tpu.memory_space<vmem_shared>>)
        tpu.yield
      }) : () -> ()
    }
    %while3A_13 = arith.constant 1 : i32
    scf.for %while3A_15 = %while3A_11 to %while3A_7 step %while3A_13  : i32 {
      "tpu.region"() ({
        %run_scoped3A = tpu.sem_alloc : memref<!tpu.dma_semaphore, #tpu.memory_space<semaphore_mem>>
        %dma_start3A = arith.constant 0 : i32
        %dma_start3A_16 = tpu.memref_slice %arg5[%while3A_15, %dma_start3A] : memref<80x128xi32, #tpu.memory_space<vmem>> -> memref<1x128xi32, #tpu.memory_space<vmem>>
        %dma_start3A_17 = tpu.memref_squeeze %dma_start3A_16 : memref<1x128xi32, #tpu.memory_space<vmem>> -> memref<128xi32, #tpu.memory_space<vmem>>
        %dma_start3A_18 = arith.constant 0 : i32
        %dma_start3A_19 = arith.constant 0 : i32
        %dma_start3A_20 = tpu.memref_slice %arg7[%dma_start3A_18, %dma_start3A_19] : memref<10240x16xf32, #tpu.memory_space<vmem_shared>> -> memref<10240x16xf32, #tpu.memory_space<vmem_shared>>
        tpu.enqueue_indirect_dma source(%arg6 : memref<128x16xf32, #tpu.memory_space<vmem>>) target(%dma_start3A_20 : memref<10240x16xf32, #tpu.memory_space<vmem_shared>>) offsets(%dma_start3A_17 : memref<128xi32, #tpu.memory_space<vmem>>) semaphore(%run_scoped3A : memref<!tpu.dma_semaphore, #tpu.memory_space<semaphore_mem>>) {add = true}
        %dma_wait3A = arith.constant 0 : i32
        %dma_wait3A_21 = tpu.memref_slice %arg5[%while3A_15, %dma_wait3A] : memref<80x128xi32, #tpu.memory_space<vmem>> -> memref<1x128xi32, #tpu.memory_space<vmem>>
        %dma_wait3A_22 = tpu.memref_squeeze %dma_wait3A_21 : memref<1x128xi32, #tpu.memory_space<vmem>> -> memref<128xi32, #tpu.memory_space<vmem>>
        %dma_wait3A_23 = arith.constant 0 : i32
        %dma_wait3A_24 = arith.constant 0 : i32
        %dma_wait3A_25 = tpu.memref_slice %arg7[%dma_wait3A_23, %dma_wait3A_24] : memref<10240x16xf32, #tpu.memory_space<vmem_shared>> -> memref<10240x16xf32, #tpu.memory_space<vmem_shared>>
        tpu.wait_indirect_dma semaphore(%run_scoped3A : memref<!tpu.dma_semaphore, #tpu.memory_space<semaphore_mem>>) src(%arg6 : memref<128x16xf32, #tpu.memory_space<vmem>>) dst(%dma_wait3A_25 : memref<10240x16xf32, #tpu.memory_space<vmem_shared>>)
        tpu.yield
      }) : () -> ()
    }
    %barrier3A_14 = arith.constant 0 : index
    tpu.barrier barrier_id(%barrier3A_14)
    "tpu.region"() ({
      %run_scoped3A = tpu.sem_alloc : memref<!tpu.dma_semaphore, #tpu.memory_space<semaphore_mem>>
      %dma_start3A = arith.constant 0 : i32
      %dma_start3A_15 = tpu.memref_slice %arg4[%arg0, %mul3A_2, %dma_start3A] : memref<2x10240x16xf32, #tpu.memory_space<hbm>> -> memref<1x640x16xf32, #tpu.memory_space<hbm>>
      %dma_start3A_16 = tpu.memref_squeeze %dma_start3A_15 : memref<1x640x16xf32, #tpu.memory_space<hbm>> -> memref<640x16xf32, #tpu.memory_space<hbm>>
      %dma_start3A_17 = arith.constant 0 : i32
      %dma_start3A_18 = tpu.memref_slice %arg7[%mul3A_2, %dma_start3A_17] : memref<10240x16xf32, #tpu.memory_space<vmem_shared>> -> memref<640x16xf32, #tpu.memory_space<vmem_shared>>
      tpu.enqueue_dma source(%dma_start3A_18 : memref<640x16xf32, #tpu.memory_space<vmem_shared>>) target(%dma_start3A_16 : memref<640x16xf32, #tpu.memory_space<hbm>>) target_semaphore(%run_scoped3A : memref<!tpu.dma_semaphore, #tpu.memory_space<semaphore_mem>>)
      %dma_wait3A = arith.constant 0 : i32
      %dma_wait3A_19 = tpu.memref_slice %arg4[%arg0, %mul3A_2, %dma_wait3A] : memref<2x10240x16xf32, #tpu.memory_space<hbm>> -> memref<1x640x16xf32, #tpu.memory_space<hbm>>
      %dma_wait3A_20 = tpu.memref_squeeze %dma_wait3A_19 : memref<1x640x16xf32, #tpu.memory_space<hbm>> -> memref<640x16xf32, #tpu.memory_space<hbm>>
      %dma_wait3A_21 = arith.constant 0 : i32
      %dma_wait3A_22 = tpu.memref_slice %arg7[%mul3A_2, %dma_wait3A_21] : memref<10240x16xf32, #tpu.memory_space<vmem_shared>> -> memref<640x16xf32, #tpu.memory_space<vmem_shared>>
      tpu.wait_dma2 semaphore(%run_scoped3A : memref<!tpu.dma_semaphore, #tpu.memory_space<semaphore_mem>>) src(%dma_wait3A_22 : memref<640x16xf32, #tpu.memory_space<vmem_shared>>) dst(%dma_wait3A_20 : memref<640x16xf32, #tpu.memory_space<hbm>>)
      tpu.yield
    }) : () -> ()
    return
  }
}

#map = affine_map<(d0, d1) -> (0, 0)>
#map1 = affine_map<(d0, d1) -> (0, 0, 0)>
module attributes {stable_mosaic.version = 14 : i64} {
  func.func @sc_pass(%arg0: i32, %arg1: i32, %arg2: memref<10240x64xf32, #tpu.memory_space<hbm>>, %arg3: memref<32x80x128xi32, #tpu.memory_space<hbm>>, %arg4: memref<32x80x128xi32, #tpu.memory_space<hbm>>, %arg5: memref<2x10240x64xf32, #tpu.memory_space<hbm>>, %arg6: memref<80x128xi32, #tpu.memory_space<vmem>>, %arg7: memref<80x128xi32, #tpu.memory_space<vmem>>, %arg8: memref<128x64xf32, #tpu.memory_space<vmem>>, %arg9: memref<128x64xf32, #tpu.memory_space<vmem>>, %arg10: memref<10240x64xf32, #tpu.memory_space<vmem_shared>>, %arg11: memref<!tpu.dma_semaphore, #tpu.memory_space<semaphore_mem>>, %arg12: memref<!tpu.dma_semaphore, #tpu.memory_space<semaphore_mem>>) attributes {dimension_semantics = [#tpu.dimension_semantics<core_parallel>, #tpu.dimension_semantics<subcore_parallel>], iteration_bounds = array<i64: 2, 16>, scalar_prefetch = 0 : i64, scratch_operands = 7 : i64, tpu.core_type = #tpu.core_type<sc_vector_subcore>, window_params = [{transform_indices = #map}, {transform_indices = #map1}, {transform_indices = #map1}, {transform_indices = #map1}]} {
    %mul3A = arith.constant 2 : i32
    %mul3A_0 = arith.muli %arg1, %mul3A : i32
    %add3A = arith.addi %mul3A_0, %arg0 : i32
    %mul3A_1 = arith.constant 640 : i32
    %mul3A_2 = arith.muli %arg1, %mul3A_1 : i32
    %eq3A = arith.constant 0 : i32
    %eq3A_3 = arith.cmpi eq, %arg0, %eq3A : i32
    %jit3A = arith.constant 40 : i32
    %jit3A_4 = arith.constant 40 : i32
    %select_n3A = arith.select %eq3A_3, %jit3A, %jit3A_4 : i32
    "tpu.region"() ({
      %run_scoped3A = tpu.sem_alloc : memref<!tpu.dma_semaphore, #tpu.memory_space<semaphore_mem>>
      %dma_start3A_21 = arith.constant 0 : i32
      %dma_start3A_22 = tpu.memref_slice %arg10[%mul3A_2, %dma_start3A_21] : memref<10240x64xf32, #tpu.memory_space<vmem_shared>> -> memref<640x64xf32, #tpu.memory_space<vmem_shared>>
      %dma_start3A_23 = arith.constant 0 : i32
      %dma_start3A_24 = tpu.memref_slice %arg2[%mul3A_2, %dma_start3A_23] : memref<10240x64xf32, #tpu.memory_space<hbm>> -> memref<640x64xf32, #tpu.memory_space<hbm>>
      tpu.enqueue_dma source(%dma_start3A_24 : memref<640x64xf32, #tpu.memory_space<hbm>>) target(%dma_start3A_22 : memref<640x64xf32, #tpu.memory_space<vmem_shared>>) target_semaphore(%run_scoped3A : memref<!tpu.dma_semaphore, #tpu.memory_space<semaphore_mem>>)
      %dma_wait3A = arith.constant 0 : i32
      %dma_wait3A_25 = tpu.memref_slice %arg10[%mul3A_2, %dma_wait3A] : memref<10240x64xf32, #tpu.memory_space<vmem_shared>> -> memref<640x64xf32, #tpu.memory_space<vmem_shared>>
      %dma_wait3A_26 = arith.constant 0 : i32
      %dma_wait3A_27 = tpu.memref_slice %arg2[%mul3A_2, %dma_wait3A_26] : memref<10240x64xf32, #tpu.memory_space<hbm>> -> memref<640x64xf32, #tpu.memory_space<hbm>>
      tpu.wait_dma2 semaphore(%run_scoped3A : memref<!tpu.dma_semaphore, #tpu.memory_space<semaphore_mem>>) src(%dma_wait3A_27 : memref<640x64xf32, #tpu.memory_space<hbm>>) dst(%dma_wait3A_25 : memref<640x64xf32, #tpu.memory_space<vmem_shared>>)
      tpu.yield
    }) : () -> ()
    "tpu.region"() ({
      %run_scoped3A = tpu.sem_alloc : memref<!tpu.dma_semaphore, #tpu.memory_space<semaphore_mem>>
      %dma_start3A_21 = arith.constant 0 : i32
      %dma_start3A_22 = arith.constant 0 : i32
      %dma_start3A_23 = tpu.memref_slice %arg3[%add3A, %dma_start3A_21, %dma_start3A_22] : memref<32x80x128xi32, #tpu.memory_space<hbm>> -> memref<1x80x128xi32, #tpu.memory_space<hbm>>
      %dma_start3A_24 = tpu.memref_squeeze %dma_start3A_23 : memref<1x80x128xi32, #tpu.memory_space<hbm>> -> memref<80x128xi32, #tpu.memory_space<hbm>>
      %dma_start3A_25 = arith.constant 0 : i32
      %dma_start3A_26 = arith.constant 0 : i32
      %dma_start3A_27 = tpu.memref_slice %arg3[%add3A, %dma_start3A_25, %dma_start3A_26] : memref<32x80x128xi32, #tpu.memory_space<hbm>> -> memref<1x80x128xi32, #tpu.memory_space<hbm>>
      %dma_start3A_28 = tpu.memref_squeeze %dma_start3A_27 : memref<1x80x128xi32, #tpu.memory_space<hbm>> -> memref<80x128xi32, #tpu.memory_space<hbm>>
      tpu.enqueue_dma source(%dma_start3A_28 : memref<80x128xi32, #tpu.memory_space<hbm>>) target(%arg6 : memref<80x128xi32, #tpu.memory_space<vmem>>) target_semaphore(%run_scoped3A : memref<!tpu.dma_semaphore, #tpu.memory_space<semaphore_mem>>)
      %dma_wait3A = arith.constant 0 : i32
      %dma_wait3A_29 = arith.constant 0 : i32
      %dma_wait3A_30 = tpu.memref_slice %arg3[%add3A, %dma_wait3A, %dma_wait3A_29] : memref<32x80x128xi32, #tpu.memory_space<hbm>> -> memref<1x80x128xi32, #tpu.memory_space<hbm>>
      %dma_wait3A_31 = tpu.memref_squeeze %dma_wait3A_30 : memref<1x80x128xi32, #tpu.memory_space<hbm>> -> memref<80x128xi32, #tpu.memory_space<hbm>>
      %dma_wait3A_32 = arith.constant 0 : i32
      %dma_wait3A_33 = arith.constant 0 : i32
      %dma_wait3A_34 = tpu.memref_slice %arg3[%add3A, %dma_wait3A_32, %dma_wait3A_33] : memref<32x80x128xi32, #tpu.memory_space<hbm>> -> memref<1x80x128xi32, #tpu.memory_space<hbm>>
      %dma_wait3A_35 = tpu.memref_squeeze %dma_wait3A_34 : memref<1x80x128xi32, #tpu.memory_space<hbm>> -> memref<80x128xi32, #tpu.memory_space<hbm>>
      tpu.wait_dma2 semaphore(%run_scoped3A : memref<!tpu.dma_semaphore, #tpu.memory_space<semaphore_mem>>) src(%dma_wait3A_35 : memref<80x128xi32, #tpu.memory_space<hbm>>) dst(%arg6 : memref<80x128xi32, #tpu.memory_space<vmem>>)
      tpu.yield
    }) : () -> ()
    "tpu.region"() ({
      %run_scoped3A = tpu.sem_alloc : memref<!tpu.dma_semaphore, #tpu.memory_space<semaphore_mem>>
      %dma_start3A_21 = arith.constant 0 : i32
      %dma_start3A_22 = arith.constant 0 : i32
      %dma_start3A_23 = tpu.memref_slice %arg4[%add3A, %dma_start3A_21, %dma_start3A_22] : memref<32x80x128xi32, #tpu.memory_space<hbm>> -> memref<1x80x128xi32, #tpu.memory_space<hbm>>
      %dma_start3A_24 = tpu.memref_squeeze %dma_start3A_23 : memref<1x80x128xi32, #tpu.memory_space<hbm>> -> memref<80x128xi32, #tpu.memory_space<hbm>>
      %dma_start3A_25 = arith.constant 0 : i32
      %dma_start3A_26 = arith.constant 0 : i32
      %dma_start3A_27 = tpu.memref_slice %arg4[%add3A, %dma_start3A_25, %dma_start3A_26] : memref<32x80x128xi32, #tpu.memory_space<hbm>> -> memref<1x80x128xi32, #tpu.memory_space<hbm>>
      %dma_start3A_28 = tpu.memref_squeeze %dma_start3A_27 : memref<1x80x128xi32, #tpu.memory_space<hbm>> -> memref<80x128xi32, #tpu.memory_space<hbm>>
      tpu.enqueue_dma source(%dma_start3A_28 : memref<80x128xi32, #tpu.memory_space<hbm>>) target(%arg7 : memref<80x128xi32, #tpu.memory_space<vmem>>) target_semaphore(%run_scoped3A : memref<!tpu.dma_semaphore, #tpu.memory_space<semaphore_mem>>)
      %dma_wait3A = arith.constant 0 : i32
      %dma_wait3A_29 = arith.constant 0 : i32
      %dma_wait3A_30 = tpu.memref_slice %arg4[%add3A, %dma_wait3A, %dma_wait3A_29] : memref<32x80x128xi32, #tpu.memory_space<hbm>> -> memref<1x80x128xi32, #tpu.memory_space<hbm>>
      %dma_wait3A_31 = tpu.memref_squeeze %dma_wait3A_30 : memref<1x80x128xi32, #tpu.memory_space<hbm>> -> memref<80x128xi32, #tpu.memory_space<hbm>>
      %dma_wait3A_32 = arith.constant 0 : i32
      %dma_wait3A_33 = arith.constant 0 : i32
      %dma_wait3A_34 = tpu.memref_slice %arg4[%add3A, %dma_wait3A_32, %dma_wait3A_33] : memref<32x80x128xi32, #tpu.memory_space<hbm>> -> memref<1x80x128xi32, #tpu.memory_space<hbm>>
      %dma_wait3A_35 = tpu.memref_squeeze %dma_wait3A_34 : memref<1x80x128xi32, #tpu.memory_space<hbm>> -> memref<80x128xi32, #tpu.memory_space<hbm>>
      tpu.wait_dma2 semaphore(%run_scoped3A : memref<!tpu.dma_semaphore, #tpu.memory_space<semaphore_mem>>) src(%dma_wait3A_35 : memref<80x128xi32, #tpu.memory_space<hbm>>) dst(%arg7 : memref<80x128xi32, #tpu.memory_space<vmem>>)
      tpu.yield
    }) : () -> ()
    %barrier3A = arith.constant 0 : index
    tpu.barrier barrier_id(%barrier3A)
    %dma_start3A = arith.constant 0 : i32
    %dma_start3A_5 = arith.constant 0 : i32
    %dma_start3A_6 = tpu.memref_slice %arg6[%dma_start3A, %dma_start3A_5] : memref<80x128xi32, #tpu.memory_space<vmem>> -> memref<1x128xi32, #tpu.memory_space<vmem>>
    %dma_start3A_7 = tpu.memref_squeeze %dma_start3A_6 : memref<1x128xi32, #tpu.memory_space<vmem>> -> memref<128xi32, #tpu.memory_space<vmem>>
    %dma_start3A_8 = arith.constant 0 : i32
    %dma_start3A_9 = arith.constant 0 : i32
    %dma_start3A_10 = tpu.memref_slice %arg2[%dma_start3A_8, %dma_start3A_9] : memref<10240x64xf32, #tpu.memory_space<hbm>> -> memref<10240x64xf32, #tpu.memory_space<hbm>>
    tpu.enqueue_indirect_dma source(%dma_start3A_10 : memref<10240x64xf32, #tpu.memory_space<hbm>>) target(%arg8 : memref<128x64xf32, #tpu.memory_space<vmem>>) offsets(%dma_start3A_7 : memref<128xi32, #tpu.memory_space<vmem>>) semaphore(%arg11 : memref<!tpu.dma_semaphore, #tpu.memory_space<semaphore_mem>>)
    %while3A = arith.constant 0 : i32
    %while3A_11 = arith.constant 0 : i32
    %while3A_12 = arith.subi %select_n3A, %while3A_11 : i32
    %while3A_13 = arith.addi %while3A_11, %while3A_12 : i32
    %while3A_14 = arith.constant 1 : i32
    %while3A_15 = arith.divsi %while3A_12, %while3A_14 : i32
    %while3A_16 = arith.muli %while3A_15, %while3A_14 : i32
    %while3A_17 = arith.addi %while3A_11, %while3A_16 : i32
    %while3A_18 = arith.constant 1 : i32
    scf.for %while3A_21 = %while3A_11 to %while3A_17 step %while3A_18  : i32 {
      %mul3A_22 = arith.constant 2 : i32
      %mul3A_23 = arith.muli %while3A_21, %mul3A_22 : i32
      %add3A_24 = arith.constant 1 : i32
      %add3A_25 = arith.addi %mul3A_23, %add3A_24 : i32
      %dma_start3A_26 = arith.constant 0 : i32
      %dma_start3A_27 = tpu.memref_slice %arg6[%add3A_25, %dma_start3A_26] : memref<80x128xi32, #tpu.memory_space<vmem>> -> memref<1x128xi32, #tpu.memory_space<vmem>>
      %dma_start3A_28 = tpu.memref_squeeze %dma_start3A_27 : memref<1x128xi32, #tpu.memory_space<vmem>> -> memref<128xi32, #tpu.memory_space<vmem>>
      %dma_start3A_29 = arith.constant 0 : i32
      %dma_start3A_30 = arith.constant 0 : i32
      %dma_start3A_31 = tpu.memref_slice %arg2[%dma_start3A_29, %dma_start3A_30] : memref<10240x64xf32, #tpu.memory_space<hbm>> -> memref<10240x64xf32, #tpu.memory_space<hbm>>
      tpu.enqueue_indirect_dma source(%dma_start3A_31 : memref<10240x64xf32, #tpu.memory_space<hbm>>) target(%arg9 : memref<128x64xf32, #tpu.memory_space<vmem>>) offsets(%dma_start3A_28 : memref<128xi32, #tpu.memory_space<vmem>>) semaphore(%arg12 : memref<!tpu.dma_semaphore, #tpu.memory_space<semaphore_mem>>)
      %dma_wait3A = arith.constant 0 : i32
      %dma_wait3A_32 = arith.constant 0 : i32
      %dma_wait3A_33 = tpu.memref_slice %arg6[%dma_wait3A, %dma_wait3A_32] : memref<80x128xi32, #tpu.memory_space<vmem>> -> memref<1x128xi32, #tpu.memory_space<vmem>>
      %dma_wait3A_34 = tpu.memref_squeeze %dma_wait3A_33 : memref<1x128xi32, #tpu.memory_space<vmem>> -> memref<128xi32, #tpu.memory_space<vmem>>
      %dma_wait3A_35 = arith.constant 0 : i32
      %dma_wait3A_36 = arith.constant 0 : i32
      %dma_wait3A_37 = tpu.memref_slice %arg2[%dma_wait3A_35, %dma_wait3A_36] : memref<10240x64xf32, #tpu.memory_space<hbm>> -> memref<10240x64xf32, #tpu.memory_space<hbm>>
      tpu.wait_indirect_dma semaphore(%arg11 : memref<!tpu.dma_semaphore, #tpu.memory_space<semaphore_mem>>) src(%dma_wait3A_37 : memref<10240x64xf32, #tpu.memory_space<hbm>>) dst(%arg8 : memref<128x64xf32, #tpu.memory_space<vmem>>)
      "tpu.region"() ({
        %run_scoped3A = tpu.sem_alloc : memref<!tpu.dma_semaphore, #tpu.memory_space<semaphore_mem>>
        %dma_start3A_49 = arith.constant 0 : i32
        %dma_start3A_50 = tpu.memref_slice %arg7[%mul3A_23, %dma_start3A_49] : memref<80x128xi32, #tpu.memory_space<vmem>> -> memref<1x128xi32, #tpu.memory_space<vmem>>
        %dma_start3A_51 = tpu.memref_squeeze %dma_start3A_50 : memref<1x128xi32, #tpu.memory_space<vmem>> -> memref<128xi32, #tpu.memory_space<vmem>>
        %dma_start3A_52 = arith.constant 0 : i32
        %dma_start3A_53 = arith.constant 0 : i32
        %dma_start3A_54 = tpu.memref_slice %arg10[%dma_start3A_52, %dma_start3A_53] : memref<10240x64xf32, #tpu.memory_space<vmem_shared>> -> memref<10240x64xf32, #tpu.memory_space<vmem_shared>>
        tpu.enqueue_indirect_dma source(%arg8 : memref<128x64xf32, #tpu.memory_space<vmem>>) target(%dma_start3A_54 : memref<10240x64xf32, #tpu.memory_space<vmem_shared>>) offsets(%dma_start3A_51 : memref<128xi32, #tpu.memory_space<vmem>>) semaphore(%run_scoped3A : memref<!tpu.dma_semaphore, #tpu.memory_space<semaphore_mem>>) {add = true}
        %dma_wait3A_55 = arith.constant 0 : i32
        %dma_wait3A_56 = tpu.memref_slice %arg7[%mul3A_23, %dma_wait3A_55] : memref<80x128xi32, #tpu.memory_space<vmem>> -> memref<1x128xi32, #tpu.memory_space<vmem>>
        %dma_wait3A_57 = tpu.memref_squeeze %dma_wait3A_56 : memref<1x128xi32, #tpu.memory_space<vmem>> -> memref<128xi32, #tpu.memory_space<vmem>>
        %dma_wait3A_58 = arith.constant 0 : i32
        %dma_wait3A_59 = arith.constant 0 : i32
        %dma_wait3A_60 = tpu.memref_slice %arg10[%dma_wait3A_58, %dma_wait3A_59] : memref<10240x64xf32, #tpu.memory_space<vmem_shared>> -> memref<10240x64xf32, #tpu.memory_space<vmem_shared>>
        tpu.wait_indirect_dma semaphore(%run_scoped3A : memref<!tpu.dma_semaphore, #tpu.memory_space<semaphore_mem>>) src(%arg8 : memref<128x64xf32, #tpu.memory_space<vmem>>) dst(%dma_wait3A_60 : memref<10240x64xf32, #tpu.memory_space<vmem_shared>>)
        tpu.yield
      }) : () -> ()
      %sub3A = arith.constant 1 : i32
      %sub3A_38 = arith.subi %select_n3A, %sub3A : i32
      %lt3A = arith.cmpi slt, %while3A_21, %sub3A_38 : i32
      %convert_element_type3A = arith.extui %lt3A : i1 to i32
      %cond3A = arith.constant 0 : i32
      %cond3A_39 = arith.cmpi ne, %convert_element_type3A, %cond3A : i32
      scf.if %cond3A_39 {
        %add3A_49 = arith.constant 2 : i32
        %add3A_50 = arith.addi %mul3A_23, %add3A_49 : i32
        %dma_start3A_51 = arith.constant 0 : i32
        %dma_start3A_52 = tpu.memref_slice %arg6[%add3A_50, %dma_start3A_51] : memref<80x128xi32, #tpu.memory_space<vmem>> -> memref<1x128xi32, #tpu.memory_space<vmem>>
        %dma_start3A_53 = tpu.memref_squeeze %dma_start3A_52 : memref<1x128xi32, #tpu.memory_space<vmem>> -> memref<128xi32, #tpu.memory_space<vmem>>
        %dma_start3A_54 = arith.constant 0 : i32
        %dma_start3A_55 = arith.constant 0 : i32
        %dma_start3A_56 = tpu.memref_slice %arg2[%dma_start3A_54, %dma_start3A_55] : memref<10240x64xf32, #tpu.memory_space<hbm>> -> memref<10240x64xf32, #tpu.memory_space<hbm>>
        tpu.enqueue_indirect_dma source(%dma_start3A_56 : memref<10240x64xf32, #tpu.memory_space<hbm>>) target(%arg8 : memref<128x64xf32, #tpu.memory_space<vmem>>) offsets(%dma_start3A_53 : memref<128xi32, #tpu.memory_space<vmem>>) semaphore(%arg11 : memref<!tpu.dma_semaphore, #tpu.memory_space<semaphore_mem>>)
      } else {
      }
      %dma_wait3A_40 = arith.constant 0 : i32
      %dma_wait3A_41 = arith.constant 0 : i32
      %dma_wait3A_42 = tpu.memref_slice %arg6[%dma_wait3A_40, %dma_wait3A_41] : memref<80x128xi32, #tpu.memory_space<vmem>> -> memref<1x128xi32, #tpu.memory_space<vmem>>
      %dma_wait3A_43 = tpu.memref_squeeze %dma_wait3A_42 : memref<1x128xi32, #tpu.memory_space<vmem>> -> memref<128xi32, #tpu.memory_space<vmem>>
      %dma_wait3A_44 = arith.constant 0 : i32
      %dma_wait3A_45 = arith.constant 0 : i32
      %dma_wait3A_46 = tpu.memref_slice %arg2[%dma_wait3A_44, %dma_wait3A_45] : memref<10240x64xf32, #tpu.memory_space<hbm>> -> memref<10240x64xf32, #tpu.memory_space<hbm>>
      tpu.wait_indirect_dma semaphore(%arg12 : memref<!tpu.dma_semaphore, #tpu.memory_space<semaphore_mem>>) src(%dma_wait3A_46 : memref<10240x64xf32, #tpu.memory_space<hbm>>) dst(%arg9 : memref<128x64xf32, #tpu.memory_space<vmem>>)
      %add3A_47 = arith.constant 1 : i32
      %add3A_48 = arith.addi %mul3A_23, %add3A_47 : i32
      "tpu.region"() ({
        %run_scoped3A = tpu.sem_alloc : memref<!tpu.dma_semaphore, #tpu.memory_space<semaphore_mem>>
        %dma_start3A_49 = arith.constant 0 : i32
        %dma_start3A_50 = tpu.memref_slice %arg7[%add3A_48, %dma_start3A_49] : memref<80x128xi32, #tpu.memory_space<vmem>> -> memref<1x128xi32, #tpu.memory_space<vmem>>
        %dma_start3A_51 = tpu.memref_squeeze %dma_start3A_50 : memref<1x128xi32, #tpu.memory_space<vmem>> -> memref<128xi32, #tpu.memory_space<vmem>>
        %dma_start3A_52 = arith.constant 0 : i32
        %dma_start3A_53 = arith.constant 0 : i32
        %dma_start3A_54 = tpu.memref_slice %arg10[%dma_start3A_52, %dma_start3A_53] : memref<10240x64xf32, #tpu.memory_space<vmem_shared>> -> memref<10240x64xf32, #tpu.memory_space<vmem_shared>>
        tpu.enqueue_indirect_dma source(%arg9 : memref<128x64xf32, #tpu.memory_space<vmem>>) target(%dma_start3A_54 : memref<10240x64xf32, #tpu.memory_space<vmem_shared>>) offsets(%dma_start3A_51 : memref<128xi32, #tpu.memory_space<vmem>>) semaphore(%run_scoped3A : memref<!tpu.dma_semaphore, #tpu.memory_space<semaphore_mem>>) {add = true}
        %dma_wait3A_55 = arith.constant 0 : i32
        %dma_wait3A_56 = tpu.memref_slice %arg7[%add3A_48, %dma_wait3A_55] : memref<80x128xi32, #tpu.memory_space<vmem>> -> memref<1x128xi32, #tpu.memory_space<vmem>>
        %dma_wait3A_57 = tpu.memref_squeeze %dma_wait3A_56 : memref<1x128xi32, #tpu.memory_space<vmem>> -> memref<128xi32, #tpu.memory_space<vmem>>
        %dma_wait3A_58 = arith.constant 0 : i32
        %dma_wait3A_59 = arith.constant 0 : i32
        %dma_wait3A_60 = tpu.memref_slice %arg10[%dma_wait3A_58, %dma_wait3A_59] : memref<10240x64xf32, #tpu.memory_space<vmem_shared>> -> memref<10240x64xf32, #tpu.memory_space<vmem_shared>>
        tpu.wait_indirect_dma semaphore(%run_scoped3A : memref<!tpu.dma_semaphore, #tpu.memory_space<semaphore_mem>>) src(%arg9 : memref<128x64xf32, #tpu.memory_space<vmem>>) dst(%dma_wait3A_60 : memref<10240x64xf32, #tpu.memory_space<vmem_shared>>)
        tpu.yield
      }) : () -> ()
    }
    %while3A_19 = arith.constant 1 : i32
    scf.for %while3A_21 = %while3A_17 to %while3A_13 step %while3A_19  : i32 {
      %mul3A_22 = arith.constant 2 : i32
      %mul3A_23 = arith.muli %while3A_21, %mul3A_22 : i32
      %add3A_24 = arith.constant 1 : i32
      %add3A_25 = arith.addi %mul3A_23, %add3A_24 : i32
      %dma_start3A_26 = arith.constant 0 : i32
      %dma_start3A_27 = tpu.memref_slice %arg6[%add3A_25, %dma_start3A_26] : memref<80x128xi32, #tpu.memory_space<vmem>> -> memref<1x128xi32, #tpu.memory_space<vmem>>
      %dma_start3A_28 = tpu.memref_squeeze %dma_start3A_27 : memref<1x128xi32, #tpu.memory_space<vmem>> -> memref<128xi32, #tpu.memory_space<vmem>>
      %dma_start3A_29 = arith.constant 0 : i32
      %dma_start3A_30 = arith.constant 0 : i32
      %dma_start3A_31 = tpu.memref_slice %arg2[%dma_start3A_29, %dma_start3A_30] : memref<10240x64xf32, #tpu.memory_space<hbm>> -> memref<10240x64xf32, #tpu.memory_space<hbm>>
      tpu.enqueue_indirect_dma source(%dma_start3A_31 : memref<10240x64xf32, #tpu.memory_space<hbm>>) target(%arg9 : memref<128x64xf32, #tpu.memory_space<vmem>>) offsets(%dma_start3A_28 : memref<128xi32, #tpu.memory_space<vmem>>) semaphore(%arg12 : memref<!tpu.dma_semaphore, #tpu.memory_space<semaphore_mem>>)
      %dma_wait3A = arith.constant 0 : i32
      %dma_wait3A_32 = arith.constant 0 : i32
      %dma_wait3A_33 = tpu.memref_slice %arg6[%dma_wait3A, %dma_wait3A_32] : memref<80x128xi32, #tpu.memory_space<vmem>> -> memref<1x128xi32, #tpu.memory_space<vmem>>
      %dma_wait3A_34 = tpu.memref_squeeze %dma_wait3A_33 : memref<1x128xi32, #tpu.memory_space<vmem>> -> memref<128xi32, #tpu.memory_space<vmem>>
      %dma_wait3A_35 = arith.constant 0 : i32
      %dma_wait3A_36 = arith.constant 0 : i32
      %dma_wait3A_37 = tpu.memref_slice %arg2[%dma_wait3A_35, %dma_wait3A_36] : memref<10240x64xf32, #tpu.memory_space<hbm>> -> memref<10240x64xf32, #tpu.memory_space<hbm>>
      tpu.wait_indirect_dma semaphore(%arg11 : memref<!tpu.dma_semaphore, #tpu.memory_space<semaphore_mem>>) src(%dma_wait3A_37 : memref<10240x64xf32, #tpu.memory_space<hbm>>) dst(%arg8 : memref<128x64xf32, #tpu.memory_space<vmem>>)
      "tpu.region"() ({
        %run_scoped3A = tpu.sem_alloc : memref<!tpu.dma_semaphore, #tpu.memory_space<semaphore_mem>>
        %dma_start3A_49 = arith.constant 0 : i32
        %dma_start3A_50 = tpu.memref_slice %arg7[%mul3A_23, %dma_start3A_49] : memref<80x128xi32, #tpu.memory_space<vmem>> -> memref<1x128xi32, #tpu.memory_space<vmem>>
        %dma_start3A_51 = tpu.memref_squeeze %dma_start3A_50 : memref<1x128xi32, #tpu.memory_space<vmem>> -> memref<128xi32, #tpu.memory_space<vmem>>
        %dma_start3A_52 = arith.constant 0 : i32
        %dma_start3A_53 = arith.constant 0 : i32
        %dma_start3A_54 = tpu.memref_slice %arg10[%dma_start3A_52, %dma_start3A_53] : memref<10240x64xf32, #tpu.memory_space<vmem_shared>> -> memref<10240x64xf32, #tpu.memory_space<vmem_shared>>
        tpu.enqueue_indirect_dma source(%arg8 : memref<128x64xf32, #tpu.memory_space<vmem>>) target(%dma_start3A_54 : memref<10240x64xf32, #tpu.memory_space<vmem_shared>>) offsets(%dma_start3A_51 : memref<128xi32, #tpu.memory_space<vmem>>) semaphore(%run_scoped3A : memref<!tpu.dma_semaphore, #tpu.memory_space<semaphore_mem>>) {add = true}
        %dma_wait3A_55 = arith.constant 0 : i32
        %dma_wait3A_56 = tpu.memref_slice %arg7[%mul3A_23, %dma_wait3A_55] : memref<80x128xi32, #tpu.memory_space<vmem>> -> memref<1x128xi32, #tpu.memory_space<vmem>>
        %dma_wait3A_57 = tpu.memref_squeeze %dma_wait3A_56 : memref<1x128xi32, #tpu.memory_space<vmem>> -> memref<128xi32, #tpu.memory_space<vmem>>
        %dma_wait3A_58 = arith.constant 0 : i32
        %dma_wait3A_59 = arith.constant 0 : i32
        %dma_wait3A_60 = tpu.memref_slice %arg10[%dma_wait3A_58, %dma_wait3A_59] : memref<10240x64xf32, #tpu.memory_space<vmem_shared>> -> memref<10240x64xf32, #tpu.memory_space<vmem_shared>>
        tpu.wait_indirect_dma semaphore(%run_scoped3A : memref<!tpu.dma_semaphore, #tpu.memory_space<semaphore_mem>>) src(%arg8 : memref<128x64xf32, #tpu.memory_space<vmem>>) dst(%dma_wait3A_60 : memref<10240x64xf32, #tpu.memory_space<vmem_shared>>)
        tpu.yield
      }) : () -> ()
      %sub3A = arith.constant 1 : i32
      %sub3A_38 = arith.subi %select_n3A, %sub3A : i32
      %lt3A = arith.cmpi slt, %while3A_21, %sub3A_38 : i32
      %convert_element_type3A = arith.extui %lt3A : i1 to i32
      %cond3A = arith.constant 0 : i32
      %cond3A_39 = arith.cmpi ne, %convert_element_type3A, %cond3A : i32
      scf.if %cond3A_39 {
        %add3A_49 = arith.constant 2 : i32
        %add3A_50 = arith.addi %mul3A_23, %add3A_49 : i32
        %dma_start3A_51 = arith.constant 0 : i32
        %dma_start3A_52 = tpu.memref_slice %arg6[%add3A_50, %dma_start3A_51] : memref<80x128xi32, #tpu.memory_space<vmem>> -> memref<1x128xi32, #tpu.memory_space<vmem>>
        %dma_start3A_53 = tpu.memref_squeeze %dma_start3A_52 : memref<1x128xi32, #tpu.memory_space<vmem>> -> memref<128xi32, #tpu.memory_space<vmem>>
        %dma_start3A_54 = arith.constant 0 : i32
        %dma_start3A_55 = arith.constant 0 : i32
        %dma_start3A_56 = tpu.memref_slice %arg2[%dma_start3A_54, %dma_start3A_55] : memref<10240x64xf32, #tpu.memory_space<hbm>> -> memref<10240x64xf32, #tpu.memory_space<hbm>>
        tpu.enqueue_indirect_dma source(%dma_start3A_56 : memref<10240x64xf32, #tpu.memory_space<hbm>>) target(%arg8 : memref<128x64xf32, #tpu.memory_space<vmem>>) offsets(%dma_start3A_53 : memref<128xi32, #tpu.memory_space<vmem>>) semaphore(%arg11 : memref<!tpu.dma_semaphore, #tpu.memory_space<semaphore_mem>>)
      } else {
      }
      %dma_wait3A_40 = arith.constant 0 : i32
      %dma_wait3A_41 = arith.constant 0 : i32
      %dma_wait3A_42 = tpu.memref_slice %arg6[%dma_wait3A_40, %dma_wait3A_41] : memref<80x128xi32, #tpu.memory_space<vmem>> -> memref<1x128xi32, #tpu.memory_space<vmem>>
      %dma_wait3A_43 = tpu.memref_squeeze %dma_wait3A_42 : memref<1x128xi32, #tpu.memory_space<vmem>> -> memref<128xi32, #tpu.memory_space<vmem>>
      %dma_wait3A_44 = arith.constant 0 : i32
      %dma_wait3A_45 = arith.constant 0 : i32
      %dma_wait3A_46 = tpu.memref_slice %arg2[%dma_wait3A_44, %dma_wait3A_45] : memref<10240x64xf32, #tpu.memory_space<hbm>> -> memref<10240x64xf32, #tpu.memory_space<hbm>>
      tpu.wait_indirect_dma semaphore(%arg12 : memref<!tpu.dma_semaphore, #tpu.memory_space<semaphore_mem>>) src(%dma_wait3A_46 : memref<10240x64xf32, #tpu.memory_space<hbm>>) dst(%arg9 : memref<128x64xf32, #tpu.memory_space<vmem>>)
      %add3A_47 = arith.constant 1 : i32
      %add3A_48 = arith.addi %mul3A_23, %add3A_47 : i32
      "tpu.region"() ({
        %run_scoped3A = tpu.sem_alloc : memref<!tpu.dma_semaphore, #tpu.memory_space<semaphore_mem>>
        %dma_start3A_49 = arith.constant 0 : i32
        %dma_start3A_50 = tpu.memref_slice %arg7[%add3A_48, %dma_start3A_49] : memref<80x128xi32, #tpu.memory_space<vmem>> -> memref<1x128xi32, #tpu.memory_space<vmem>>
        %dma_start3A_51 = tpu.memref_squeeze %dma_start3A_50 : memref<1x128xi32, #tpu.memory_space<vmem>> -> memref<128xi32, #tpu.memory_space<vmem>>
        %dma_start3A_52 = arith.constant 0 : i32
        %dma_start3A_53 = arith.constant 0 : i32
        %dma_start3A_54 = tpu.memref_slice %arg10[%dma_start3A_52, %dma_start3A_53] : memref<10240x64xf32, #tpu.memory_space<vmem_shared>> -> memref<10240x64xf32, #tpu.memory_space<vmem_shared>>
        tpu.enqueue_indirect_dma source(%arg9 : memref<128x64xf32, #tpu.memory_space<vmem>>) target(%dma_start3A_54 : memref<10240x64xf32, #tpu.memory_space<vmem_shared>>) offsets(%dma_start3A_51 : memref<128xi32, #tpu.memory_space<vmem>>) semaphore(%run_scoped3A : memref<!tpu.dma_semaphore, #tpu.memory_space<semaphore_mem>>) {add = true}
        %dma_wait3A_55 = arith.constant 0 : i32
        %dma_wait3A_56 = tpu.memref_slice %arg7[%add3A_48, %dma_wait3A_55] : memref<80x128xi32, #tpu.memory_space<vmem>> -> memref<1x128xi32, #tpu.memory_space<vmem>>
        %dma_wait3A_57 = tpu.memref_squeeze %dma_wait3A_56 : memref<1x128xi32, #tpu.memory_space<vmem>> -> memref<128xi32, #tpu.memory_space<vmem>>
        %dma_wait3A_58 = arith.constant 0 : i32
        %dma_wait3A_59 = arith.constant 0 : i32
        %dma_wait3A_60 = tpu.memref_slice %arg10[%dma_wait3A_58, %dma_wait3A_59] : memref<10240x64xf32, #tpu.memory_space<vmem_shared>> -> memref<10240x64xf32, #tpu.memory_space<vmem_shared>>
        tpu.wait_indirect_dma semaphore(%run_scoped3A : memref<!tpu.dma_semaphore, #tpu.memory_space<semaphore_mem>>) src(%arg9 : memref<128x64xf32, #tpu.memory_space<vmem>>) dst(%dma_wait3A_60 : memref<10240x64xf32, #tpu.memory_space<vmem_shared>>)
        tpu.yield
      }) : () -> ()
    }
    %barrier3A_20 = arith.constant 0 : index
    tpu.barrier barrier_id(%barrier3A_20)
    "tpu.region"() ({
      %run_scoped3A = tpu.sem_alloc : memref<!tpu.dma_semaphore, #tpu.memory_space<semaphore_mem>>
      %dma_start3A_21 = arith.constant 0 : i32
      %dma_start3A_22 = tpu.memref_slice %arg5[%arg0, %mul3A_2, %dma_start3A_21] : memref<2x10240x64xf32, #tpu.memory_space<hbm>> -> memref<1x640x64xf32, #tpu.memory_space<hbm>>
      %dma_start3A_23 = tpu.memref_squeeze %dma_start3A_22 : memref<1x640x64xf32, #tpu.memory_space<hbm>> -> memref<640x64xf32, #tpu.memory_space<hbm>>
      %dma_start3A_24 = arith.constant 0 : i32
      %dma_start3A_25 = tpu.memref_slice %arg10[%mul3A_2, %dma_start3A_24] : memref<10240x64xf32, #tpu.memory_space<vmem_shared>> -> memref<640x64xf32, #tpu.memory_space<vmem_shared>>
      tpu.enqueue_dma source(%dma_start3A_25 : memref<640x64xf32, #tpu.memory_space<vmem_shared>>) target(%dma_start3A_23 : memref<640x64xf32, #tpu.memory_space<hbm>>) target_semaphore(%run_scoped3A : memref<!tpu.dma_semaphore, #tpu.memory_space<semaphore_mem>>)
      %dma_wait3A = arith.constant 0 : i32
      %dma_wait3A_26 = tpu.memref_slice %arg5[%arg0, %mul3A_2, %dma_wait3A] : memref<2x10240x64xf32, #tpu.memory_space<hbm>> -> memref<1x640x64xf32, #tpu.memory_space<hbm>>
      %dma_wait3A_27 = tpu.memref_squeeze %dma_wait3A_26 : memref<1x640x64xf32, #tpu.memory_space<hbm>> -> memref<640x64xf32, #tpu.memory_space<hbm>>
      %dma_wait3A_28 = arith.constant 0 : i32
      %dma_wait3A_29 = tpu.memref_slice %arg10[%mul3A_2, %dma_wait3A_28] : memref<10240x64xf32, #tpu.memory_space<vmem_shared>> -> memref<640x64xf32, #tpu.memory_space<vmem_shared>>
      tpu.wait_dma2 semaphore(%run_scoped3A : memref<!tpu.dma_semaphore, #tpu.memory_space<semaphore_mem>>) src(%dma_wait3A_29 : memref<640x64xf32, #tpu.memory_space<vmem_shared>>) dst(%dma_wait3A_27 : memref<640x64xf32, #tpu.memory_space<hbm>>)
      tpu.yield
    }) : () -> ()
    return
  }
}

#map = affine_map<(d0, d1) -> (0, 0)>
#map1 = affine_map<(d0, d1) -> (0, 0, 0)>
module attributes {stable_mosaic.version = 14 : i64} {
  func.func @sc_pass(%arg0: i32, %arg1: i32, %arg2: memref<10240x64xf32, #tpu.memory_space<hbm>>, %arg3: memref<32x80x128xi32, #tpu.memory_space<hbm>>, %arg4: memref<32x80x128xi32, #tpu.memory_space<hbm>>, %arg5: memref<2x10240x64xf32, #tpu.memory_space<hbm>>, %arg6: memref<80x128xi32, #tpu.memory_space<vmem>>, %arg7: memref<80x128xi32, #tpu.memory_space<vmem>>, %arg8: memref<128x64xf32, #tpu.memory_space<vmem>>, %arg9: memref<128x64xf32, #tpu.memory_space<vmem>>, %arg10: memref<10240x64xf32, #tpu.memory_space<vmem_shared>>, %arg11: memref<!tpu.dma_semaphore, #tpu.memory_space<semaphore_mem>>, %arg12: memref<!tpu.dma_semaphore, #tpu.memory_space<semaphore_mem>>) attributes {dimension_semantics = [#tpu.dimension_semantics<core_parallel>, #tpu.dimension_semantics<subcore_parallel>], iteration_bounds = array<i64: 2, 16>, scalar_prefetch = 0 : i64, scratch_operands = 7 : i64, tpu.core_type = #tpu.core_type<sc_vector_subcore>, window_params = [{transform_indices = #map}, {transform_indices = #map1}, {transform_indices = #map1}, {transform_indices = #map1}]} {
    %mul3A = arith.constant 2 : i32
    %mul3A_0 = arith.muli %arg1, %mul3A : i32
    %add3A = arith.addi %mul3A_0, %arg0 : i32
    %mul3A_1 = arith.constant 640 : i32
    %mul3A_2 = arith.muli %arg1, %mul3A_1 : i32
    %eq3A = arith.constant 0 : i32
    %eq3A_3 = arith.cmpi eq, %arg0, %eq3A : i32
    %jit3A = arith.constant 40 : i32
    %jit3A_4 = arith.constant 40 : i32
    %select_n3A = arith.select %eq3A_3, %jit3A, %jit3A_4 : i32
    "tpu.region"() ({
      %run_scoped3A = tpu.sem_alloc : memref<!tpu.dma_semaphore, #tpu.memory_space<semaphore_mem>>
      %dma_start3A_21 = arith.constant 0 : i32
      %dma_start3A_22 = tpu.memref_slice %arg10[%mul3A_2, %dma_start3A_21] : memref<10240x64xf32, #tpu.memory_space<vmem_shared>> -> memref<640x64xf32, #tpu.memory_space<vmem_shared>>
      %dma_start3A_23 = arith.constant 0 : i32
      %dma_start3A_24 = tpu.memref_slice %arg2[%mul3A_2, %dma_start3A_23] : memref<10240x64xf32, #tpu.memory_space<hbm>> -> memref<640x64xf32, #tpu.memory_space<hbm>>
      tpu.enqueue_dma source(%dma_start3A_24 : memref<640x64xf32, #tpu.memory_space<hbm>>) target(%dma_start3A_22 : memref<640x64xf32, #tpu.memory_space<vmem_shared>>) target_semaphore(%run_scoped3A : memref<!tpu.dma_semaphore, #tpu.memory_space<semaphore_mem>>)
      %dma_wait3A = arith.constant 0 : i32
      %dma_wait3A_25 = tpu.memref_slice %arg10[%mul3A_2, %dma_wait3A] : memref<10240x64xf32, #tpu.memory_space<vmem_shared>> -> memref<640x64xf32, #tpu.memory_space<vmem_shared>>
      %dma_wait3A_26 = arith.constant 0 : i32
      %dma_wait3A_27 = tpu.memref_slice %arg2[%mul3A_2, %dma_wait3A_26] : memref<10240x64xf32, #tpu.memory_space<hbm>> -> memref<640x64xf32, #tpu.memory_space<hbm>>
      tpu.wait_dma2 semaphore(%run_scoped3A : memref<!tpu.dma_semaphore, #tpu.memory_space<semaphore_mem>>) src(%dma_wait3A_27 : memref<640x64xf32, #tpu.memory_space<hbm>>) dst(%dma_wait3A_25 : memref<640x64xf32, #tpu.memory_space<vmem_shared>>)
      tpu.yield
    }) : () -> ()
    "tpu.region"() ({
      %run_scoped3A = tpu.sem_alloc : memref<!tpu.dma_semaphore, #tpu.memory_space<semaphore_mem>>
      %dma_start3A_21 = arith.constant 0 : i32
      %dma_start3A_22 = arith.constant 0 : i32
      %dma_start3A_23 = tpu.memref_slice %arg3[%add3A, %dma_start3A_21, %dma_start3A_22] : memref<32x80x128xi32, #tpu.memory_space<hbm>> -> memref<1x80x128xi32, #tpu.memory_space<hbm>>
      %dma_start3A_24 = tpu.memref_squeeze %dma_start3A_23 : memref<1x80x128xi32, #tpu.memory_space<hbm>> -> memref<80x128xi32, #tpu.memory_space<hbm>>
      %dma_start3A_25 = arith.constant 0 : i32
      %dma_start3A_26 = arith.constant 0 : i32
      %dma_start3A_27 = tpu.memref_slice %arg3[%add3A, %dma_start3A_25, %dma_start3A_26] : memref<32x80x128xi32, #tpu.memory_space<hbm>> -> memref<1x80x128xi32, #tpu.memory_space<hbm>>
      %dma_start3A_28 = tpu.memref_squeeze %dma_start3A_27 : memref<1x80x128xi32, #tpu.memory_space<hbm>> -> memref<80x128xi32, #tpu.memory_space<hbm>>
      tpu.enqueue_dma source(%dma_start3A_28 : memref<80x128xi32, #tpu.memory_space<hbm>>) target(%arg6 : memref<80x128xi32, #tpu.memory_space<vmem>>) target_semaphore(%run_scoped3A : memref<!tpu.dma_semaphore, #tpu.memory_space<semaphore_mem>>)
      %dma_wait3A = arith.constant 0 : i32
      %dma_wait3A_29 = arith.constant 0 : i32
      %dma_wait3A_30 = tpu.memref_slice %arg3[%add3A, %dma_wait3A, %dma_wait3A_29] : memref<32x80x128xi32, #tpu.memory_space<hbm>> -> memref<1x80x128xi32, #tpu.memory_space<hbm>>
      %dma_wait3A_31 = tpu.memref_squeeze %dma_wait3A_30 : memref<1x80x128xi32, #tpu.memory_space<hbm>> -> memref<80x128xi32, #tpu.memory_space<hbm>>
      %dma_wait3A_32 = arith.constant 0 : i32
      %dma_wait3A_33 = arith.constant 0 : i32
      %dma_wait3A_34 = tpu.memref_slice %arg3[%add3A, %dma_wait3A_32, %dma_wait3A_33] : memref<32x80x128xi32, #tpu.memory_space<hbm>> -> memref<1x80x128xi32, #tpu.memory_space<hbm>>
      %dma_wait3A_35 = tpu.memref_squeeze %dma_wait3A_34 : memref<1x80x128xi32, #tpu.memory_space<hbm>> -> memref<80x128xi32, #tpu.memory_space<hbm>>
      tpu.wait_dma2 semaphore(%run_scoped3A : memref<!tpu.dma_semaphore, #tpu.memory_space<semaphore_mem>>) src(%dma_wait3A_35 : memref<80x128xi32, #tpu.memory_space<hbm>>) dst(%arg6 : memref<80x128xi32, #tpu.memory_space<vmem>>)
      tpu.yield
    }) : () -> ()
    "tpu.region"() ({
      %run_scoped3A = tpu.sem_alloc : memref<!tpu.dma_semaphore, #tpu.memory_space<semaphore_mem>>
      %dma_start3A_21 = arith.constant 0 : i32
      %dma_start3A_22 = arith.constant 0 : i32
      %dma_start3A_23 = tpu.memref_slice %arg4[%add3A, %dma_start3A_21, %dma_start3A_22] : memref<32x80x128xi32, #tpu.memory_space<hbm>> -> memref<1x80x128xi32, #tpu.memory_space<hbm>>
      %dma_start3A_24 = tpu.memref_squeeze %dma_start3A_23 : memref<1x80x128xi32, #tpu.memory_space<hbm>> -> memref<80x128xi32, #tpu.memory_space<hbm>>
      %dma_start3A_25 = arith.constant 0 : i32
      %dma_start3A_26 = arith.constant 0 : i32
      %dma_start3A_27 = tpu.memref_slice %arg4[%add3A, %dma_start3A_25, %dma_start3A_26] : memref<32x80x128xi32, #tpu.memory_space<hbm>> -> memref<1x80x128xi32, #tpu.memory_space<hbm>>
      %dma_start3A_28 = tpu.memref_squeeze %dma_start3A_27 : memref<1x80x128xi32, #tpu.memory_space<hbm>> -> memref<80x128xi32, #tpu.memory_space<hbm>>
      tpu.enqueue_dma source(%dma_start3A_28 : memref<80x128xi32, #tpu.memory_space<hbm>>) target(%arg7 : memref<80x128xi32, #tpu.memory_space<vmem>>) target_semaphore(%run_scoped3A : memref<!tpu.dma_semaphore, #tpu.memory_space<semaphore_mem>>)
      %dma_wait3A = arith.constant 0 : i32
      %dma_wait3A_29 = arith.constant 0 : i32
      %dma_wait3A_30 = tpu.memref_slice %arg4[%add3A, %dma_wait3A, %dma_wait3A_29] : memref<32x80x128xi32, #tpu.memory_space<hbm>> -> memref<1x80x128xi32, #tpu.memory_space<hbm>>
      %dma_wait3A_31 = tpu.memref_squeeze %dma_wait3A_30 : memref<1x80x128xi32, #tpu.memory_space<hbm>> -> memref<80x128xi32, #tpu.memory_space<hbm>>
      %dma_wait3A_32 = arith.constant 0 : i32
      %dma_wait3A_33 = arith.constant 0 : i32
      %dma_wait3A_34 = tpu.memref_slice %arg4[%add3A, %dma_wait3A_32, %dma_wait3A_33] : memref<32x80x128xi32, #tpu.memory_space<hbm>> -> memref<1x80x128xi32, #tpu.memory_space<hbm>>
      %dma_wait3A_35 = tpu.memref_squeeze %dma_wait3A_34 : memref<1x80x128xi32, #tpu.memory_space<hbm>> -> memref<80x128xi32, #tpu.memory_space<hbm>>
      tpu.wait_dma2 semaphore(%run_scoped3A : memref<!tpu.dma_semaphore, #tpu.memory_space<semaphore_mem>>) src(%dma_wait3A_35 : memref<80x128xi32, #tpu.memory_space<hbm>>) dst(%arg7 : memref<80x128xi32, #tpu.memory_space<vmem>>)
      tpu.yield
    }) : () -> ()
    %barrier3A = arith.constant 0 : index
    tpu.barrier barrier_id(%barrier3A)
    %dma_start3A = arith.constant 0 : i32
    %dma_start3A_5 = arith.constant 0 : i32
    %dma_start3A_6 = tpu.memref_slice %arg6[%dma_start3A, %dma_start3A_5] : memref<80x128xi32, #tpu.memory_space<vmem>> -> memref<1x128xi32, #tpu.memory_space<vmem>>
    %dma_start3A_7 = tpu.memref_squeeze %dma_start3A_6 : memref<1x128xi32, #tpu.memory_space<vmem>> -> memref<128xi32, #tpu.memory_space<vmem>>
    %dma_start3A_8 = arith.constant 0 : i32
    %dma_start3A_9 = arith.constant 0 : i32
    %dma_start3A_10 = tpu.memref_slice %arg2[%dma_start3A_8, %dma_start3A_9] : memref<10240x64xf32, #tpu.memory_space<hbm>> -> memref<10240x64xf32, #tpu.memory_space<hbm>>
    tpu.enqueue_indirect_dma source(%dma_start3A_10 : memref<10240x64xf32, #tpu.memory_space<hbm>>) target(%arg8 : memref<128x64xf32, #tpu.memory_space<vmem>>) offsets(%dma_start3A_7 : memref<128xi32, #tpu.memory_space<vmem>>) semaphore(%arg11 : memref<!tpu.dma_semaphore, #tpu.memory_space<semaphore_mem>>)
    %while3A = arith.constant 0 : i32
    %while3A_11 = arith.constant 0 : i32
    %while3A_12 = arith.subi %select_n3A, %while3A_11 : i32
    %while3A_13 = arith.addi %while3A_11, %while3A_12 : i32
    %while3A_14 = arith.constant 1 : i32
    %while3A_15 = arith.divsi %while3A_12, %while3A_14 : i32
    %while3A_16 = arith.muli %while3A_15, %while3A_14 : i32
    %while3A_17 = arith.addi %while3A_11, %while3A_16 : i32
    %while3A_18 = arith.constant 1 : i32
    scf.for %while3A_21 = %while3A_11 to %while3A_17 step %while3A_18  : i32 {
      %mul3A_22 = arith.constant 2 : i32
      %mul3A_23 = arith.muli %while3A_21, %mul3A_22 : i32
      %add3A_24 = arith.constant 1 : i32
      %add3A_25 = arith.addi %mul3A_23, %add3A_24 : i32
      %dma_start3A_26 = arith.constant 0 : i32
      %dma_start3A_27 = tpu.memref_slice %arg6[%add3A_25, %dma_start3A_26] : memref<80x128xi32, #tpu.memory_space<vmem>> -> memref<1x128xi32, #tpu.memory_space<vmem>>
      %dma_start3A_28 = tpu.memref_squeeze %dma_start3A_27 : memref<1x128xi32, #tpu.memory_space<vmem>> -> memref<128xi32, #tpu.memory_space<vmem>>
      %dma_start3A_29 = arith.constant 0 : i32
      %dma_start3A_30 = arith.constant 0 : i32
      %dma_start3A_31 = tpu.memref_slice %arg2[%dma_start3A_29, %dma_start3A_30] : memref<10240x64xf32, #tpu.memory_space<hbm>> -> memref<10240x64xf32, #tpu.memory_space<hbm>>
      tpu.enqueue_indirect_dma source(%dma_start3A_31 : memref<10240x64xf32, #tpu.memory_space<hbm>>) target(%arg9 : memref<128x64xf32, #tpu.memory_space<vmem>>) offsets(%dma_start3A_28 : memref<128xi32, #tpu.memory_space<vmem>>) semaphore(%arg12 : memref<!tpu.dma_semaphore, #tpu.memory_space<semaphore_mem>>)
      %dma_wait3A = arith.constant 0 : i32
      %dma_wait3A_32 = arith.constant 0 : i32
      %dma_wait3A_33 = tpu.memref_slice %arg6[%dma_wait3A, %dma_wait3A_32] : memref<80x128xi32, #tpu.memory_space<vmem>> -> memref<1x128xi32, #tpu.memory_space<vmem>>
      %dma_wait3A_34 = tpu.memref_squeeze %dma_wait3A_33 : memref<1x128xi32, #tpu.memory_space<vmem>> -> memref<128xi32, #tpu.memory_space<vmem>>
      %dma_wait3A_35 = arith.constant 0 : i32
      %dma_wait3A_36 = arith.constant 0 : i32
      %dma_wait3A_37 = tpu.memref_slice %arg2[%dma_wait3A_35, %dma_wait3A_36] : memref<10240x64xf32, #tpu.memory_space<hbm>> -> memref<10240x64xf32, #tpu.memory_space<hbm>>
      tpu.wait_indirect_dma semaphore(%arg11 : memref<!tpu.dma_semaphore, #tpu.memory_space<semaphore_mem>>) src(%dma_wait3A_37 : memref<10240x64xf32, #tpu.memory_space<hbm>>) dst(%arg8 : memref<128x64xf32, #tpu.memory_space<vmem>>)
      "tpu.region"() ({
        %run_scoped3A = tpu.sem_alloc : memref<!tpu.dma_semaphore, #tpu.memory_space<semaphore_mem>>
        %dma_start3A_49 = arith.constant 0 : i32
        %dma_start3A_50 = tpu.memref_slice %arg7[%mul3A_23, %dma_start3A_49] : memref<80x128xi32, #tpu.memory_space<vmem>> -> memref<1x128xi32, #tpu.memory_space<vmem>>
        %dma_start3A_51 = tpu.memref_squeeze %dma_start3A_50 : memref<1x128xi32, #tpu.memory_space<vmem>> -> memref<128xi32, #tpu.memory_space<vmem>>
        %dma_start3A_52 = arith.constant 0 : i32
        %dma_start3A_53 = arith.constant 0 : i32
        %dma_start3A_54 = tpu.memref_slice %arg10[%dma_start3A_52, %dma_start3A_53] : memref<10240x64xf32, #tpu.memory_space<vmem_shared>> -> memref<10240x64xf32, #tpu.memory_space<vmem_shared>>
        tpu.enqueue_indirect_dma source(%arg8 : memref<128x64xf32, #tpu.memory_space<vmem>>) target(%dma_start3A_54 : memref<10240x64xf32, #tpu.memory_space<vmem_shared>>) offsets(%dma_start3A_51 : memref<128xi32, #tpu.memory_space<vmem>>) semaphore(%run_scoped3A : memref<!tpu.dma_semaphore, #tpu.memory_space<semaphore_mem>>) {add = true}
        %dma_wait3A_55 = arith.constant 0 : i32
        %dma_wait3A_56 = tpu.memref_slice %arg7[%mul3A_23, %dma_wait3A_55] : memref<80x128xi32, #tpu.memory_space<vmem>> -> memref<1x128xi32, #tpu.memory_space<vmem>>
        %dma_wait3A_57 = tpu.memref_squeeze %dma_wait3A_56 : memref<1x128xi32, #tpu.memory_space<vmem>> -> memref<128xi32, #tpu.memory_space<vmem>>
        %dma_wait3A_58 = arith.constant 0 : i32
        %dma_wait3A_59 = arith.constant 0 : i32
        %dma_wait3A_60 = tpu.memref_slice %arg10[%dma_wait3A_58, %dma_wait3A_59] : memref<10240x64xf32, #tpu.memory_space<vmem_shared>> -> memref<10240x64xf32, #tpu.memory_space<vmem_shared>>
        tpu.wait_indirect_dma semaphore(%run_scoped3A : memref<!tpu.dma_semaphore, #tpu.memory_space<semaphore_mem>>) src(%arg8 : memref<128x64xf32, #tpu.memory_space<vmem>>) dst(%dma_wait3A_60 : memref<10240x64xf32, #tpu.memory_space<vmem_shared>>)
        tpu.yield
      }) : () -> ()
      %sub3A = arith.constant 1 : i32
      %sub3A_38 = arith.subi %select_n3A, %sub3A : i32
      %lt3A = arith.cmpi slt, %while3A_21, %sub3A_38 : i32
      %convert_element_type3A = arith.extui %lt3A : i1 to i32
      %cond3A = arith.constant 0 : i32
      %cond3A_39 = arith.cmpi ne, %convert_element_type3A, %cond3A : i32
      scf.if %cond3A_39 {
        %add3A_49 = arith.constant 2 : i32
        %add3A_50 = arith.addi %mul3A_23, %add3A_49 : i32
        %dma_start3A_51 = arith.constant 0 : i32
        %dma_start3A_52 = tpu.memref_slice %arg6[%add3A_50, %dma_start3A_51] : memref<80x128xi32, #tpu.memory_space<vmem>> -> memref<1x128xi32, #tpu.memory_space<vmem>>
        %dma_start3A_53 = tpu.memref_squeeze %dma_start3A_52 : memref<1x128xi32, #tpu.memory_space<vmem>> -> memref<128xi32, #tpu.memory_space<vmem>>
        %dma_start3A_54 = arith.constant 0 : i32
        %dma_start3A_55 = arith.constant 0 : i32
        %dma_start3A_56 = tpu.memref_slice %arg2[%dma_start3A_54, %dma_start3A_55] : memref<10240x64xf32, #tpu.memory_space<hbm>> -> memref<10240x64xf32, #tpu.memory_space<hbm>>
        tpu.enqueue_indirect_dma source(%dma_start3A_56 : memref<10240x64xf32, #tpu.memory_space<hbm>>) target(%arg8 : memref<128x64xf32, #tpu.memory_space<vmem>>) offsets(%dma_start3A_53 : memref<128xi32, #tpu.memory_space<vmem>>) semaphore(%arg11 : memref<!tpu.dma_semaphore, #tpu.memory_space<semaphore_mem>>)
      } else {
      }
      %dma_wait3A_40 = arith.constant 0 : i32
      %dma_wait3A_41 = arith.constant 0 : i32
      %dma_wait3A_42 = tpu.memref_slice %arg6[%dma_wait3A_40, %dma_wait3A_41] : memref<80x128xi32, #tpu.memory_space<vmem>> -> memref<1x128xi32, #tpu.memory_space<vmem>>
      %dma_wait3A_43 = tpu.memref_squeeze %dma_wait3A_42 : memref<1x128xi32, #tpu.memory_space<vmem>> -> memref<128xi32, #tpu.memory_space<vmem>>
      %dma_wait3A_44 = arith.constant 0 : i32
      %dma_wait3A_45 = arith.constant 0 : i32
      %dma_wait3A_46 = tpu.memref_slice %arg2[%dma_wait3A_44, %dma_wait3A_45] : memref<10240x64xf32, #tpu.memory_space<hbm>> -> memref<10240x64xf32, #tpu.memory_space<hbm>>
      tpu.wait_indirect_dma semaphore(%arg12 : memref<!tpu.dma_semaphore, #tpu.memory_space<semaphore_mem>>) src(%dma_wait3A_46 : memref<10240x64xf32, #tpu.memory_space<hbm>>) dst(%arg9 : memref<128x64xf32, #tpu.memory_space<vmem>>)
      %add3A_47 = arith.constant 1 : i32
      %add3A_48 = arith.addi %mul3A_23, %add3A_47 : i32
      "tpu.region"() ({
        %run_scoped3A = tpu.sem_alloc : memref<!tpu.dma_semaphore, #tpu.memory_space<semaphore_mem>>
        %dma_start3A_49 = arith.constant 0 : i32
        %dma_start3A_50 = tpu.memref_slice %arg7[%add3A_48, %dma_start3A_49] : memref<80x128xi32, #tpu.memory_space<vmem>> -> memref<1x128xi32, #tpu.memory_space<vmem>>
        %dma_start3A_51 = tpu.memref_squeeze %dma_start3A_50 : memref<1x128xi32, #tpu.memory_space<vmem>> -> memref<128xi32, #tpu.memory_space<vmem>>
        %dma_start3A_52 = arith.constant 0 : i32
        %dma_start3A_53 = arith.constant 0 : i32
        %dma_start3A_54 = tpu.memref_slice %arg10[%dma_start3A_52, %dma_start3A_53] : memref<10240x64xf32, #tpu.memory_space<vmem_shared>> -> memref<10240x64xf32, #tpu.memory_space<vmem_shared>>
        tpu.enqueue_indirect_dma source(%arg9 : memref<128x64xf32, #tpu.memory_space<vmem>>) target(%dma_start3A_54 : memref<10240x64xf32, #tpu.memory_space<vmem_shared>>) offsets(%dma_start3A_51 : memref<128xi32, #tpu.memory_space<vmem>>) semaphore(%run_scoped3A : memref<!tpu.dma_semaphore, #tpu.memory_space<semaphore_mem>>) {add = true}
        %dma_wait3A_55 = arith.constant 0 : i32
        %dma_wait3A_56 = tpu.memref_slice %arg7[%add3A_48, %dma_wait3A_55] : memref<80x128xi32, #tpu.memory_space<vmem>> -> memref<1x128xi32, #tpu.memory_space<vmem>>
        %dma_wait3A_57 = tpu.memref_squeeze %dma_wait3A_56 : memref<1x128xi32, #tpu.memory_space<vmem>> -> memref<128xi32, #tpu.memory_space<vmem>>
        %dma_wait3A_58 = arith.constant 0 : i32
        %dma_wait3A_59 = arith.constant 0 : i32
        %dma_wait3A_60 = tpu.memref_slice %arg10[%dma_wait3A_58, %dma_wait3A_59] : memref<10240x64xf32, #tpu.memory_space<vmem_shared>> -> memref<10240x64xf32, #tpu.memory_space<vmem_shared>>
        tpu.wait_indirect_dma semaphore(%run_scoped3A : memref<!tpu.dma_semaphore, #tpu.memory_space<semaphore_mem>>) src(%arg9 : memref<128x64xf32, #tpu.memory_space<vmem>>) dst(%dma_wait3A_60 : memref<10240x64xf32, #tpu.memory_space<vmem_shared>>)
        tpu.yield
      }) : () -> ()
    }
    %while3A_19 = arith.constant 1 : i32
    scf.for %while3A_21 = %while3A_17 to %while3A_13 step %while3A_19  : i32 {
      %mul3A_22 = arith.constant 2 : i32
      %mul3A_23 = arith.muli %while3A_21, %mul3A_22 : i32
      %add3A_24 = arith.constant 1 : i32
      %add3A_25 = arith.addi %mul3A_23, %add3A_24 : i32
      %dma_start3A_26 = arith.constant 0 : i32
      %dma_start3A_27 = tpu.memref_slice %arg6[%add3A_25, %dma_start3A_26] : memref<80x128xi32, #tpu.memory_space<vmem>> -> memref<1x128xi32, #tpu.memory_space<vmem>>
      %dma_start3A_28 = tpu.memref_squeeze %dma_start3A_27 : memref<1x128xi32, #tpu.memory_space<vmem>> -> memref<128xi32, #tpu.memory_space<vmem>>
      %dma_start3A_29 = arith.constant 0 : i32
      %dma_start3A_30 = arith.constant 0 : i32
      %dma_start3A_31 = tpu.memref_slice %arg2[%dma_start3A_29, %dma_start3A_30] : memref<10240x64xf32, #tpu.memory_space<hbm>> -> memref<10240x64xf32, #tpu.memory_space<hbm>>
      tpu.enqueue_indirect_dma source(%dma_start3A_31 : memref<10240x64xf32, #tpu.memory_space<hbm>>) target(%arg9 : memref<128x64xf32, #tpu.memory_space<vmem>>) offsets(%dma_start3A_28 : memref<128xi32, #tpu.memory_space<vmem>>) semaphore(%arg12 : memref<!tpu.dma_semaphore, #tpu.memory_space<semaphore_mem>>)
      %dma_wait3A = arith.constant 0 : i32
      %dma_wait3A_32 = arith.constant 0 : i32
      %dma_wait3A_33 = tpu.memref_slice %arg6[%dma_wait3A, %dma_wait3A_32] : memref<80x128xi32, #tpu.memory_space<vmem>> -> memref<1x128xi32, #tpu.memory_space<vmem>>
      %dma_wait3A_34 = tpu.memref_squeeze %dma_wait3A_33 : memref<1x128xi32, #tpu.memory_space<vmem>> -> memref<128xi32, #tpu.memory_space<vmem>>
      %dma_wait3A_35 = arith.constant 0 : i32
      %dma_wait3A_36 = arith.constant 0 : i32
      %dma_wait3A_37 = tpu.memref_slice %arg2[%dma_wait3A_35, %dma_wait3A_36] : memref<10240x64xf32, #tpu.memory_space<hbm>> -> memref<10240x64xf32, #tpu.memory_space<hbm>>
      tpu.wait_indirect_dma semaphore(%arg11 : memref<!tpu.dma_semaphore, #tpu.memory_space<semaphore_mem>>) src(%dma_wait3A_37 : memref<10240x64xf32, #tpu.memory_space<hbm>>) dst(%arg8 : memref<128x64xf32, #tpu.memory_space<vmem>>)
      "tpu.region"() ({
        %run_scoped3A = tpu.sem_alloc : memref<!tpu.dma_semaphore, #tpu.memory_space<semaphore_mem>>
        %dma_start3A_49 = arith.constant 0 : i32
        %dma_start3A_50 = tpu.memref_slice %arg7[%mul3A_23, %dma_start3A_49] : memref<80x128xi32, #tpu.memory_space<vmem>> -> memref<1x128xi32, #tpu.memory_space<vmem>>
        %dma_start3A_51 = tpu.memref_squeeze %dma_start3A_50 : memref<1x128xi32, #tpu.memory_space<vmem>> -> memref<128xi32, #tpu.memory_space<vmem>>
        %dma_start3A_52 = arith.constant 0 : i32
        %dma_start3A_53 = arith.constant 0 : i32
        %dma_start3A_54 = tpu.memref_slice %arg10[%dma_start3A_52, %dma_start3A_53] : memref<10240x64xf32, #tpu.memory_space<vmem_shared>> -> memref<10240x64xf32, #tpu.memory_space<vmem_shared>>
        tpu.enqueue_indirect_dma source(%arg8 : memref<128x64xf32, #tpu.memory_space<vmem>>) target(%dma_start3A_54 : memref<10240x64xf32, #tpu.memory_space<vmem_shared>>) offsets(%dma_start3A_51 : memref<128xi32, #tpu.memory_space<vmem>>) semaphore(%run_scoped3A : memref<!tpu.dma_semaphore, #tpu.memory_space<semaphore_mem>>) {add = true}
        %dma_wait3A_55 = arith.constant 0 : i32
        %dma_wait3A_56 = tpu.memref_slice %arg7[%mul3A_23, %dma_wait3A_55] : memref<80x128xi32, #tpu.memory_space<vmem>> -> memref<1x128xi32, #tpu.memory_space<vmem>>
        %dma_wait3A_57 = tpu.memref_squeeze %dma_wait3A_56 : memref<1x128xi32, #tpu.memory_space<vmem>> -> memref<128xi32, #tpu.memory_space<vmem>>
        %dma_wait3A_58 = arith.constant 0 : i32
        %dma_wait3A_59 = arith.constant 0 : i32
        %dma_wait3A_60 = tpu.memref_slice %arg10[%dma_wait3A_58, %dma_wait3A_59] : memref<10240x64xf32, #tpu.memory_space<vmem_shared>> -> memref<10240x64xf32, #tpu.memory_space<vmem_shared>>
        tpu.wait_indirect_dma semaphore(%run_scoped3A : memref<!tpu.dma_semaphore, #tpu.memory_space<semaphore_mem>>) src(%arg8 : memref<128x64xf32, #tpu.memory_space<vmem>>) dst(%dma_wait3A_60 : memref<10240x64xf32, #tpu.memory_space<vmem_shared>>)
        tpu.yield
      }) : () -> ()
      %sub3A = arith.constant 1 : i32
      %sub3A_38 = arith.subi %select_n3A, %sub3A : i32
      %lt3A = arith.cmpi slt, %while3A_21, %sub3A_38 : i32
      %convert_element_type3A = arith.extui %lt3A : i1 to i32
      %cond3A = arith.constant 0 : i32
      %cond3A_39 = arith.cmpi ne, %convert_element_type3A, %cond3A : i32
      scf.if %cond3A_39 {
        %add3A_49 = arith.constant 2 : i32
        %add3A_50 = arith.addi %mul3A_23, %add3A_49 : i32
        %dma_start3A_51 = arith.constant 0 : i32
        %dma_start3A_52 = tpu.memref_slice %arg6[%add3A_50, %dma_start3A_51] : memref<80x128xi32, #tpu.memory_space<vmem>> -> memref<1x128xi32, #tpu.memory_space<vmem>>
        %dma_start3A_53 = tpu.memref_squeeze %dma_start3A_52 : memref<1x128xi32, #tpu.memory_space<vmem>> -> memref<128xi32, #tpu.memory_space<vmem>>
        %dma_start3A_54 = arith.constant 0 : i32
        %dma_start3A_55 = arith.constant 0 : i32
        %dma_start3A_56 = tpu.memref_slice %arg2[%dma_start3A_54, %dma_start3A_55] : memref<10240x64xf32, #tpu.memory_space<hbm>> -> memref<10240x64xf32, #tpu.memory_space<hbm>>
        tpu.enqueue_indirect_dma source(%dma_start3A_56 : memref<10240x64xf32, #tpu.memory_space<hbm>>) target(%arg8 : memref<128x64xf32, #tpu.memory_space<vmem>>) offsets(%dma_start3A_53 : memref<128xi32, #tpu.memory_space<vmem>>) semaphore(%arg11 : memref<!tpu.dma_semaphore, #tpu.memory_space<semaphore_mem>>)
      } else {
      }
      %dma_wait3A_40 = arith.constant 0 : i32
      %dma_wait3A_41 = arith.constant 0 : i32
      %dma_wait3A_42 = tpu.memref_slice %arg6[%dma_wait3A_40, %dma_wait3A_41] : memref<80x128xi32, #tpu.memory_space<vmem>> -> memref<1x128xi32, #tpu.memory_space<vmem>>
      %dma_wait3A_43 = tpu.memref_squeeze %dma_wait3A_42 : memref<1x128xi32, #tpu.memory_space<vmem>> -> memref<128xi32, #tpu.memory_space<vmem>>
      %dma_wait3A_44 = arith.constant 0 : i32
      %dma_wait3A_45 = arith.constant 0 : i32
      %dma_wait3A_46 = tpu.memref_slice %arg2[%dma_wait3A_44, %dma_wait3A_45] : memref<10240x64xf32, #tpu.memory_space<hbm>> -> memref<10240x64xf32, #tpu.memory_space<hbm>>
      tpu.wait_indirect_dma semaphore(%arg12 : memref<!tpu.dma_semaphore, #tpu.memory_space<semaphore_mem>>) src(%dma_wait3A_46 : memref<10240x64xf32, #tpu.memory_space<hbm>>) dst(%arg9 : memref<128x64xf32, #tpu.memory_space<vmem>>)
      %add3A_47 = arith.constant 1 : i32
      %add3A_48 = arith.addi %mul3A_23, %add3A_47 : i32
      "tpu.region"() ({
        %run_scoped3A = tpu.sem_alloc : memref<!tpu.dma_semaphore, #tpu.memory_space<semaphore_mem>>
        %dma_start3A_49 = arith.constant 0 : i32
        %dma_start3A_50 = tpu.memref_slice %arg7[%add3A_48, %dma_start3A_49] : memref<80x128xi32, #tpu.memory_space<vmem>> -> memref<1x128xi32, #tpu.memory_space<vmem>>
        %dma_start3A_51 = tpu.memref_squeeze %dma_start3A_50 : memref<1x128xi32, #tpu.memory_space<vmem>> -> memref<128xi32, #tpu.memory_space<vmem>>
        %dma_start3A_52 = arith.constant 0 : i32
        %dma_start3A_53 = arith.constant 0 : i32
        %dma_start3A_54 = tpu.memref_slice %arg10[%dma_start3A_52, %dma_start3A_53] : memref<10240x64xf32, #tpu.memory_space<vmem_shared>> -> memref<10240x64xf32, #tpu.memory_space<vmem_shared>>
        tpu.enqueue_indirect_dma source(%arg9 : memref<128x64xf32, #tpu.memory_space<vmem>>) target(%dma_start3A_54 : memref<10240x64xf32, #tpu.memory_space<vmem_shared>>) offsets(%dma_start3A_51 : memref<128xi32, #tpu.memory_space<vmem>>) semaphore(%run_scoped3A : memref<!tpu.dma_semaphore, #tpu.memory_space<semaphore_mem>>) {add = true}
        %dma_wait3A_55 = arith.constant 0 : i32
        %dma_wait3A_56 = tpu.memref_slice %arg7[%add3A_48, %dma_wait3A_55] : memref<80x128xi32, #tpu.memory_space<vmem>> -> memref<1x128xi32, #tpu.memory_space<vmem>>
        %dma_wait3A_57 = tpu.memref_squeeze %dma_wait3A_56 : memref<1x128xi32, #tpu.memory_space<vmem>> -> memref<128xi32, #tpu.memory_space<vmem>>
        %dma_wait3A_58 = arith.constant 0 : i32
        %dma_wait3A_59 = arith.constant 0 : i32
        %dma_wait3A_60 = tpu.memref_slice %arg10[%dma_wait3A_58, %dma_wait3A_59] : memref<10240x64xf32, #tpu.memory_space<vmem_shared>> -> memref<10240x64xf32, #tpu.memory_space<vmem_shared>>
        tpu.wait_indirect_dma semaphore(%run_scoped3A : memref<!tpu.dma_semaphore, #tpu.memory_space<semaphore_mem>>) src(%arg9 : memref<128x64xf32, #tpu.memory_space<vmem>>) dst(%dma_wait3A_60 : memref<10240x64xf32, #tpu.memory_space<vmem_shared>>)
        tpu.yield
      }) : () -> ()
    }
    %barrier3A_20 = arith.constant 0 : index
    tpu.barrier barrier_id(%barrier3A_20)
    "tpu.region"() ({
      %run_scoped3A = tpu.sem_alloc : memref<!tpu.dma_semaphore, #tpu.memory_space<semaphore_mem>>
      %dma_start3A_21 = arith.constant 0 : i32
      %dma_start3A_22 = tpu.memref_slice %arg5[%arg0, %mul3A_2, %dma_start3A_21] : memref<2x10240x64xf32, #tpu.memory_space<hbm>> -> memref<1x640x64xf32, #tpu.memory_space<hbm>>
      %dma_start3A_23 = tpu.memref_squeeze %dma_start3A_22 : memref<1x640x64xf32, #tpu.memory_space<hbm>> -> memref<640x64xf32, #tpu.memory_space<hbm>>
      %dma_start3A_24 = arith.constant 0 : i32
      %dma_start3A_25 = tpu.memref_slice %arg10[%mul3A_2, %dma_start3A_24] : memref<10240x64xf32, #tpu.memory_space<vmem_shared>> -> memref<640x64xf32, #tpu.memory_space<vmem_shared>>
      tpu.enqueue_dma source(%dma_start3A_25 : memref<640x64xf32, #tpu.memory_space<vmem_shared>>) target(%dma_start3A_23 : memref<640x64xf32, #tpu.memory_space<hbm>>) target_semaphore(%run_scoped3A : memref<!tpu.dma_semaphore, #tpu.memory_space<semaphore_mem>>)
      %dma_wait3A = arith.constant 0 : i32
      %dma_wait3A_26 = tpu.memref_slice %arg5[%arg0, %mul3A_2, %dma_wait3A] : memref<2x10240x64xf32, #tpu.memory_space<hbm>> -> memref<1x640x64xf32, #tpu.memory_space<hbm>>
      %dma_wait3A_27 = tpu.memref_squeeze %dma_wait3A_26 : memref<1x640x64xf32, #tpu.memory_space<hbm>> -> memref<640x64xf32, #tpu.memory_space<hbm>>
      %dma_wait3A_28 = arith.constant 0 : i32
      %dma_wait3A_29 = tpu.memref_slice %arg10[%mul3A_2, %dma_wait3A_28] : memref<10240x64xf32, #tpu.memory_space<vmem_shared>> -> memref<640x64xf32, #tpu.memory_space<vmem_shared>>
      tpu.wait_dma2 semaphore(%run_scoped3A : memref<!tpu.dma_semaphore, #tpu.memory_space<semaphore_mem>>) src(%dma_wait3A_29 : memref<640x64xf32, #tpu.memory_space<vmem_shared>>) dst(%dma_wait3A_27 : memref<640x64xf32, #tpu.memory_space<hbm>>)
      tpu.yield
    }) : () -> ()
    return
  }
}

#map = affine_map<(d0, d1) -> (0, 0)>
#map1 = affine_map<(d0, d1) -> (0, 0, 0)>
module attributes {stable_mosaic.version = 14 : i64} {
  func.func @sc_pass(%arg0: i32, %arg1: i32, %arg2: memref<10240x64xf32, #tpu.memory_space<hbm>>, %arg3: memref<32x80x128xi32, #tpu.memory_space<hbm>>, %arg4: memref<32x80x128xi32, #tpu.memory_space<hbm>>, %arg5: memref<2x10240x64xf32, #tpu.memory_space<hbm>>, %arg6: memref<80x128xi32, #tpu.memory_space<vmem>>, %arg7: memref<80x128xi32, #tpu.memory_space<vmem>>, %arg8: memref<128x64xf32, #tpu.memory_space<vmem>>, %arg9: memref<128x64xf32, #tpu.memory_space<vmem>>, %arg10: memref<10240x64xf32, #tpu.memory_space<vmem_shared>>, %arg11: memref<!tpu.dma_semaphore, #tpu.memory_space<semaphore_mem>>, %arg12: memref<!tpu.dma_semaphore, #tpu.memory_space<semaphore_mem>>) attributes {dimension_semantics = [#tpu.dimension_semantics<core_parallel>, #tpu.dimension_semantics<subcore_parallel>], iteration_bounds = array<i64: 2, 16>, scalar_prefetch = 0 : i64, scratch_operands = 7 : i64, tpu.core_type = #tpu.core_type<sc_vector_subcore>, window_params = [{transform_indices = #map}, {transform_indices = #map1}, {transform_indices = #map1}, {transform_indices = #map1}]} {
    %mul3A = arith.constant 2 : i32
    %mul3A_0 = arith.muli %arg1, %mul3A : i32
    %add3A = arith.addi %mul3A_0, %arg0 : i32
    %mul3A_1 = arith.constant 640 : i32
    %mul3A_2 = arith.muli %arg1, %mul3A_1 : i32
    %eq3A = arith.constant 0 : i32
    %eq3A_3 = arith.cmpi eq, %arg0, %eq3A : i32
    %jit3A = arith.constant 40 : i32
    %jit3A_4 = arith.constant 40 : i32
    %select_n3A = arith.select %eq3A_3, %jit3A, %jit3A_4 : i32
    "tpu.region"() ({
      %run_scoped3A = tpu.sem_alloc : memref<!tpu.dma_semaphore, #tpu.memory_space<semaphore_mem>>
      %dma_start3A_21 = arith.constant 0 : i32
      %dma_start3A_22 = tpu.memref_slice %arg10[%mul3A_2, %dma_start3A_21] : memref<10240x64xf32, #tpu.memory_space<vmem_shared>> -> memref<640x64xf32, #tpu.memory_space<vmem_shared>>
      %dma_start3A_23 = arith.constant 0 : i32
      %dma_start3A_24 = tpu.memref_slice %arg2[%mul3A_2, %dma_start3A_23] : memref<10240x64xf32, #tpu.memory_space<hbm>> -> memref<640x64xf32, #tpu.memory_space<hbm>>
      tpu.enqueue_dma source(%dma_start3A_24 : memref<640x64xf32, #tpu.memory_space<hbm>>) target(%dma_start3A_22 : memref<640x64xf32, #tpu.memory_space<vmem_shared>>) target_semaphore(%run_scoped3A : memref<!tpu.dma_semaphore, #tpu.memory_space<semaphore_mem>>)
      %dma_wait3A = arith.constant 0 : i32
      %dma_wait3A_25 = tpu.memref_slice %arg10[%mul3A_2, %dma_wait3A] : memref<10240x64xf32, #tpu.memory_space<vmem_shared>> -> memref<640x64xf32, #tpu.memory_space<vmem_shared>>
      %dma_wait3A_26 = arith.constant 0 : i32
      %dma_wait3A_27 = tpu.memref_slice %arg2[%mul3A_2, %dma_wait3A_26] : memref<10240x64xf32, #tpu.memory_space<hbm>> -> memref<640x64xf32, #tpu.memory_space<hbm>>
      tpu.wait_dma2 semaphore(%run_scoped3A : memref<!tpu.dma_semaphore, #tpu.memory_space<semaphore_mem>>) src(%dma_wait3A_27 : memref<640x64xf32, #tpu.memory_space<hbm>>) dst(%dma_wait3A_25 : memref<640x64xf32, #tpu.memory_space<vmem_shared>>)
      tpu.yield
    }) : () -> ()
    "tpu.region"() ({
      %run_scoped3A = tpu.sem_alloc : memref<!tpu.dma_semaphore, #tpu.memory_space<semaphore_mem>>
      %dma_start3A_21 = arith.constant 0 : i32
      %dma_start3A_22 = arith.constant 0 : i32
      %dma_start3A_23 = tpu.memref_slice %arg3[%add3A, %dma_start3A_21, %dma_start3A_22] : memref<32x80x128xi32, #tpu.memory_space<hbm>> -> memref<1x80x128xi32, #tpu.memory_space<hbm>>
      %dma_start3A_24 = tpu.memref_squeeze %dma_start3A_23 : memref<1x80x128xi32, #tpu.memory_space<hbm>> -> memref<80x128xi32, #tpu.memory_space<hbm>>
      %dma_start3A_25 = arith.constant 0 : i32
      %dma_start3A_26 = arith.constant 0 : i32
      %dma_start3A_27 = tpu.memref_slice %arg3[%add3A, %dma_start3A_25, %dma_start3A_26] : memref<32x80x128xi32, #tpu.memory_space<hbm>> -> memref<1x80x128xi32, #tpu.memory_space<hbm>>
      %dma_start3A_28 = tpu.memref_squeeze %dma_start3A_27 : memref<1x80x128xi32, #tpu.memory_space<hbm>> -> memref<80x128xi32, #tpu.memory_space<hbm>>
      tpu.enqueue_dma source(%dma_start3A_28 : memref<80x128xi32, #tpu.memory_space<hbm>>) target(%arg6 : memref<80x128xi32, #tpu.memory_space<vmem>>) target_semaphore(%run_scoped3A : memref<!tpu.dma_semaphore, #tpu.memory_space<semaphore_mem>>)
      %dma_wait3A = arith.constant 0 : i32
      %dma_wait3A_29 = arith.constant 0 : i32
      %dma_wait3A_30 = tpu.memref_slice %arg3[%add3A, %dma_wait3A, %dma_wait3A_29] : memref<32x80x128xi32, #tpu.memory_space<hbm>> -> memref<1x80x128xi32, #tpu.memory_space<hbm>>
      %dma_wait3A_31 = tpu.memref_squeeze %dma_wait3A_30 : memref<1x80x128xi32, #tpu.memory_space<hbm>> -> memref<80x128xi32, #tpu.memory_space<hbm>>
      %dma_wait3A_32 = arith.constant 0 : i32
      %dma_wait3A_33 = arith.constant 0 : i32
      %dma_wait3A_34 = tpu.memref_slice %arg3[%add3A, %dma_wait3A_32, %dma_wait3A_33] : memref<32x80x128xi32, #tpu.memory_space<hbm>> -> memref<1x80x128xi32, #tpu.memory_space<hbm>>
      %dma_wait3A_35 = tpu.memref_squeeze %dma_wait3A_34 : memref<1x80x128xi32, #tpu.memory_space<hbm>> -> memref<80x128xi32, #tpu.memory_space<hbm>>
      tpu.wait_dma2 semaphore(%run_scoped3A : memref<!tpu.dma_semaphore, #tpu.memory_space<semaphore_mem>>) src(%dma_wait3A_35 : memref<80x128xi32, #tpu.memory_space<hbm>>) dst(%arg6 : memref<80x128xi32, #tpu.memory_space<vmem>>)
      tpu.yield
    }) : () -> ()
    "tpu.region"() ({
      %run_scoped3A = tpu.sem_alloc : memref<!tpu.dma_semaphore, #tpu.memory_space<semaphore_mem>>
      %dma_start3A_21 = arith.constant 0 : i32
      %dma_start3A_22 = arith.constant 0 : i32
      %dma_start3A_23 = tpu.memref_slice %arg4[%add3A, %dma_start3A_21, %dma_start3A_22] : memref<32x80x128xi32, #tpu.memory_space<hbm>> -> memref<1x80x128xi32, #tpu.memory_space<hbm>>
      %dma_start3A_24 = tpu.memref_squeeze %dma_start3A_23 : memref<1x80x128xi32, #tpu.memory_space<hbm>> -> memref<80x128xi32, #tpu.memory_space<hbm>>
      %dma_start3A_25 = arith.constant 0 : i32
      %dma_start3A_26 = arith.constant 0 : i32
      %dma_start3A_27 = tpu.memref_slice %arg4[%add3A, %dma_start3A_25, %dma_start3A_26] : memref<32x80x128xi32, #tpu.memory_space<hbm>> -> memref<1x80x128xi32, #tpu.memory_space<hbm>>
      %dma_start3A_28 = tpu.memref_squeeze %dma_start3A_27 : memref<1x80x128xi32, #tpu.memory_space<hbm>> -> memref<80x128xi32, #tpu.memory_space<hbm>>
      tpu.enqueue_dma source(%dma_start3A_28 : memref<80x128xi32, #tpu.memory_space<hbm>>) target(%arg7 : memref<80x128xi32, #tpu.memory_space<vmem>>) target_semaphore(%run_scoped3A : memref<!tpu.dma_semaphore, #tpu.memory_space<semaphore_mem>>)
      %dma_wait3A = arith.constant 0 : i32
      %dma_wait3A_29 = arith.constant 0 : i32
      %dma_wait3A_30 = tpu.memref_slice %arg4[%add3A, %dma_wait3A, %dma_wait3A_29] : memref<32x80x128xi32, #tpu.memory_space<hbm>> -> memref<1x80x128xi32, #tpu.memory_space<hbm>>
      %dma_wait3A_31 = tpu.memref_squeeze %dma_wait3A_30 : memref<1x80x128xi32, #tpu.memory_space<hbm>> -> memref<80x128xi32, #tpu.memory_space<hbm>>
      %dma_wait3A_32 = arith.constant 0 : i32
      %dma_wait3A_33 = arith.constant 0 : i32
      %dma_wait3A_34 = tpu.memref_slice %arg4[%add3A, %dma_wait3A_32, %dma_wait3A_33] : memref<32x80x128xi32, #tpu.memory_space<hbm>> -> memref<1x80x128xi32, #tpu.memory_space<hbm>>
      %dma_wait3A_35 = tpu.memref_squeeze %dma_wait3A_34 : memref<1x80x128xi32, #tpu.memory_space<hbm>> -> memref<80x128xi32, #tpu.memory_space<hbm>>
      tpu.wait_dma2 semaphore(%run_scoped3A : memref<!tpu.dma_semaphore, #tpu.memory_space<semaphore_mem>>) src(%dma_wait3A_35 : memref<80x128xi32, #tpu.memory_space<hbm>>) dst(%arg7 : memref<80x128xi32, #tpu.memory_space<vmem>>)
      tpu.yield
    }) : () -> ()
    %barrier3A = arith.constant 0 : index
    tpu.barrier barrier_id(%barrier3A)
    %dma_start3A = arith.constant 0 : i32
    %dma_start3A_5 = arith.constant 0 : i32
    %dma_start3A_6 = tpu.memref_slice %arg6[%dma_start3A, %dma_start3A_5] : memref<80x128xi32, #tpu.memory_space<vmem>> -> memref<1x128xi32, #tpu.memory_space<vmem>>
    %dma_start3A_7 = tpu.memref_squeeze %dma_start3A_6 : memref<1x128xi32, #tpu.memory_space<vmem>> -> memref<128xi32, #tpu.memory_space<vmem>>
    %dma_start3A_8 = arith.constant 0 : i32
    %dma_start3A_9 = arith.constant 0 : i32
    %dma_start3A_10 = tpu.memref_slice %arg2[%dma_start3A_8, %dma_start3A_9] : memref<10240x64xf32, #tpu.memory_space<hbm>> -> memref<10240x64xf32, #tpu.memory_space<hbm>>
    tpu.enqueue_indirect_dma source(%dma_start3A_10 : memref<10240x64xf32, #tpu.memory_space<hbm>>) target(%arg8 : memref<128x64xf32, #tpu.memory_space<vmem>>) offsets(%dma_start3A_7 : memref<128xi32, #tpu.memory_space<vmem>>) semaphore(%arg11 : memref<!tpu.dma_semaphore, #tpu.memory_space<semaphore_mem>>)
    %while3A = arith.constant 0 : i32
    %while3A_11 = arith.constant 0 : i32
    %while3A_12 = arith.subi %select_n3A, %while3A_11 : i32
    %while3A_13 = arith.addi %while3A_11, %while3A_12 : i32
    %while3A_14 = arith.constant 1 : i32
    %while3A_15 = arith.divsi %while3A_12, %while3A_14 : i32
    %while3A_16 = arith.muli %while3A_15, %while3A_14 : i32
    %while3A_17 = arith.addi %while3A_11, %while3A_16 : i32
    %while3A_18 = arith.constant 1 : i32
    scf.for %while3A_21 = %while3A_11 to %while3A_17 step %while3A_18  : i32 {
      %mul3A_22 = arith.constant 2 : i32
      %mul3A_23 = arith.muli %while3A_21, %mul3A_22 : i32
      %add3A_24 = arith.constant 1 : i32
      %add3A_25 = arith.addi %mul3A_23, %add3A_24 : i32
      %dma_start3A_26 = arith.constant 0 : i32
      %dma_start3A_27 = tpu.memref_slice %arg6[%add3A_25, %dma_start3A_26] : memref<80x128xi32, #tpu.memory_space<vmem>> -> memref<1x128xi32, #tpu.memory_space<vmem>>
      %dma_start3A_28 = tpu.memref_squeeze %dma_start3A_27 : memref<1x128xi32, #tpu.memory_space<vmem>> -> memref<128xi32, #tpu.memory_space<vmem>>
      %dma_start3A_29 = arith.constant 0 : i32
      %dma_start3A_30 = arith.constant 0 : i32
      %dma_start3A_31 = tpu.memref_slice %arg2[%dma_start3A_29, %dma_start3A_30] : memref<10240x64xf32, #tpu.memory_space<hbm>> -> memref<10240x64xf32, #tpu.memory_space<hbm>>
      tpu.enqueue_indirect_dma source(%dma_start3A_31 : memref<10240x64xf32, #tpu.memory_space<hbm>>) target(%arg9 : memref<128x64xf32, #tpu.memory_space<vmem>>) offsets(%dma_start3A_28 : memref<128xi32, #tpu.memory_space<vmem>>) semaphore(%arg12 : memref<!tpu.dma_semaphore, #tpu.memory_space<semaphore_mem>>)
      %dma_wait3A = arith.constant 0 : i32
      %dma_wait3A_32 = arith.constant 0 : i32
      %dma_wait3A_33 = tpu.memref_slice %arg6[%dma_wait3A, %dma_wait3A_32] : memref<80x128xi32, #tpu.memory_space<vmem>> -> memref<1x128xi32, #tpu.memory_space<vmem>>
      %dma_wait3A_34 = tpu.memref_squeeze %dma_wait3A_33 : memref<1x128xi32, #tpu.memory_space<vmem>> -> memref<128xi32, #tpu.memory_space<vmem>>
      %dma_wait3A_35 = arith.constant 0 : i32
      %dma_wait3A_36 = arith.constant 0 : i32
      %dma_wait3A_37 = tpu.memref_slice %arg2[%dma_wait3A_35, %dma_wait3A_36] : memref<10240x64xf32, #tpu.memory_space<hbm>> -> memref<10240x64xf32, #tpu.memory_space<hbm>>
      tpu.wait_indirect_dma semaphore(%arg11 : memref<!tpu.dma_semaphore, #tpu.memory_space<semaphore_mem>>) src(%dma_wait3A_37 : memref<10240x64xf32, #tpu.memory_space<hbm>>) dst(%arg8 : memref<128x64xf32, #tpu.memory_space<vmem>>)
      "tpu.region"() ({
        %run_scoped3A = tpu.sem_alloc : memref<!tpu.dma_semaphore, #tpu.memory_space<semaphore_mem>>
        %dma_start3A_49 = arith.constant 0 : i32
        %dma_start3A_50 = tpu.memref_slice %arg7[%mul3A_23, %dma_start3A_49] : memref<80x128xi32, #tpu.memory_space<vmem>> -> memref<1x128xi32, #tpu.memory_space<vmem>>
        %dma_start3A_51 = tpu.memref_squeeze %dma_start3A_50 : memref<1x128xi32, #tpu.memory_space<vmem>> -> memref<128xi32, #tpu.memory_space<vmem>>
        %dma_start3A_52 = arith.constant 0 : i32
        %dma_start3A_53 = arith.constant 0 : i32
        %dma_start3A_54 = tpu.memref_slice %arg10[%dma_start3A_52, %dma_start3A_53] : memref<10240x64xf32, #tpu.memory_space<vmem_shared>> -> memref<10240x64xf32, #tpu.memory_space<vmem_shared>>
        tpu.enqueue_indirect_dma source(%arg8 : memref<128x64xf32, #tpu.memory_space<vmem>>) target(%dma_start3A_54 : memref<10240x64xf32, #tpu.memory_space<vmem_shared>>) offsets(%dma_start3A_51 : memref<128xi32, #tpu.memory_space<vmem>>) semaphore(%run_scoped3A : memref<!tpu.dma_semaphore, #tpu.memory_space<semaphore_mem>>) {add = true}
        %dma_wait3A_55 = arith.constant 0 : i32
        %dma_wait3A_56 = tpu.memref_slice %arg7[%mul3A_23, %dma_wait3A_55] : memref<80x128xi32, #tpu.memory_space<vmem>> -> memref<1x128xi32, #tpu.memory_space<vmem>>
        %dma_wait3A_57 = tpu.memref_squeeze %dma_wait3A_56 : memref<1x128xi32, #tpu.memory_space<vmem>> -> memref<128xi32, #tpu.memory_space<vmem>>
        %dma_wait3A_58 = arith.constant 0 : i32
        %dma_wait3A_59 = arith.constant 0 : i32
        %dma_wait3A_60 = tpu.memref_slice %arg10[%dma_wait3A_58, %dma_wait3A_59] : memref<10240x64xf32, #tpu.memory_space<vmem_shared>> -> memref<10240x64xf32, #tpu.memory_space<vmem_shared>>
        tpu.wait_indirect_dma semaphore(%run_scoped3A : memref<!tpu.dma_semaphore, #tpu.memory_space<semaphore_mem>>) src(%arg8 : memref<128x64xf32, #tpu.memory_space<vmem>>) dst(%dma_wait3A_60 : memref<10240x64xf32, #tpu.memory_space<vmem_shared>>)
        tpu.yield
      }) : () -> ()
      %sub3A = arith.constant 1 : i32
      %sub3A_38 = arith.subi %select_n3A, %sub3A : i32
      %lt3A = arith.cmpi slt, %while3A_21, %sub3A_38 : i32
      %convert_element_type3A = arith.extui %lt3A : i1 to i32
      %cond3A = arith.constant 0 : i32
      %cond3A_39 = arith.cmpi ne, %convert_element_type3A, %cond3A : i32
      scf.if %cond3A_39 {
        %add3A_49 = arith.constant 2 : i32
        %add3A_50 = arith.addi %mul3A_23, %add3A_49 : i32
        %dma_start3A_51 = arith.constant 0 : i32
        %dma_start3A_52 = tpu.memref_slice %arg6[%add3A_50, %dma_start3A_51] : memref<80x128xi32, #tpu.memory_space<vmem>> -> memref<1x128xi32, #tpu.memory_space<vmem>>
        %dma_start3A_53 = tpu.memref_squeeze %dma_start3A_52 : memref<1x128xi32, #tpu.memory_space<vmem>> -> memref<128xi32, #tpu.memory_space<vmem>>
        %dma_start3A_54 = arith.constant 0 : i32
        %dma_start3A_55 = arith.constant 0 : i32
        %dma_start3A_56 = tpu.memref_slice %arg2[%dma_start3A_54, %dma_start3A_55] : memref<10240x64xf32, #tpu.memory_space<hbm>> -> memref<10240x64xf32, #tpu.memory_space<hbm>>
        tpu.enqueue_indirect_dma source(%dma_start3A_56 : memref<10240x64xf32, #tpu.memory_space<hbm>>) target(%arg8 : memref<128x64xf32, #tpu.memory_space<vmem>>) offsets(%dma_start3A_53 : memref<128xi32, #tpu.memory_space<vmem>>) semaphore(%arg11 : memref<!tpu.dma_semaphore, #tpu.memory_space<semaphore_mem>>)
      } else {
      }
      %dma_wait3A_40 = arith.constant 0 : i32
      %dma_wait3A_41 = arith.constant 0 : i32
      %dma_wait3A_42 = tpu.memref_slice %arg6[%dma_wait3A_40, %dma_wait3A_41] : memref<80x128xi32, #tpu.memory_space<vmem>> -> memref<1x128xi32, #tpu.memory_space<vmem>>
      %dma_wait3A_43 = tpu.memref_squeeze %dma_wait3A_42 : memref<1x128xi32, #tpu.memory_space<vmem>> -> memref<128xi32, #tpu.memory_space<vmem>>
      %dma_wait3A_44 = arith.constant 0 : i32
      %dma_wait3A_45 = arith.constant 0 : i32
      %dma_wait3A_46 = tpu.memref_slice %arg2[%dma_wait3A_44, %dma_wait3A_45] : memref<10240x64xf32, #tpu.memory_space<hbm>> -> memref<10240x64xf32, #tpu.memory_space<hbm>>
      tpu.wait_indirect_dma semaphore(%arg12 : memref<!tpu.dma_semaphore, #tpu.memory_space<semaphore_mem>>) src(%dma_wait3A_46 : memref<10240x64xf32, #tpu.memory_space<hbm>>) dst(%arg9 : memref<128x64xf32, #tpu.memory_space<vmem>>)
      %add3A_47 = arith.constant 1 : i32
      %add3A_48 = arith.addi %mul3A_23, %add3A_47 : i32
      "tpu.region"() ({
        %run_scoped3A = tpu.sem_alloc : memref<!tpu.dma_semaphore, #tpu.memory_space<semaphore_mem>>
        %dma_start3A_49 = arith.constant 0 : i32
        %dma_start3A_50 = tpu.memref_slice %arg7[%add3A_48, %dma_start3A_49] : memref<80x128xi32, #tpu.memory_space<vmem>> -> memref<1x128xi32, #tpu.memory_space<vmem>>
        %dma_start3A_51 = tpu.memref_squeeze %dma_start3A_50 : memref<1x128xi32, #tpu.memory_space<vmem>> -> memref<128xi32, #tpu.memory_space<vmem>>
        %dma_start3A_52 = arith.constant 0 : i32
        %dma_start3A_53 = arith.constant 0 : i32
        %dma_start3A_54 = tpu.memref_slice %arg10[%dma_start3A_52, %dma_start3A_53] : memref<10240x64xf32, #tpu.memory_space<vmem_shared>> -> memref<10240x64xf32, #tpu.memory_space<vmem_shared>>
        tpu.enqueue_indirect_dma source(%arg9 : memref<128x64xf32, #tpu.memory_space<vmem>>) target(%dma_start3A_54 : memref<10240x64xf32, #tpu.memory_space<vmem_shared>>) offsets(%dma_start3A_51 : memref<128xi32, #tpu.memory_space<vmem>>) semaphore(%run_scoped3A : memref<!tpu.dma_semaphore, #tpu.memory_space<semaphore_mem>>) {add = true}
        %dma_wait3A_55 = arith.constant 0 : i32
        %dma_wait3A_56 = tpu.memref_slice %arg7[%add3A_48, %dma_wait3A_55] : memref<80x128xi32, #tpu.memory_space<vmem>> -> memref<1x128xi32, #tpu.memory_space<vmem>>
        %dma_wait3A_57 = tpu.memref_squeeze %dma_wait3A_56 : memref<1x128xi32, #tpu.memory_space<vmem>> -> memref<128xi32, #tpu.memory_space<vmem>>
        %dma_wait3A_58 = arith.constant 0 : i32
        %dma_wait3A_59 = arith.constant 0 : i32
        %dma_wait3A_60 = tpu.memref_slice %arg10[%dma_wait3A_58, %dma_wait3A_59] : memref<10240x64xf32, #tpu.memory_space<vmem_shared>> -> memref<10240x64xf32, #tpu.memory_space<vmem_shared>>
        tpu.wait_indirect_dma semaphore(%run_scoped3A : memref<!tpu.dma_semaphore, #tpu.memory_space<semaphore_mem>>) src(%arg9 : memref<128x64xf32, #tpu.memory_space<vmem>>) dst(%dma_wait3A_60 : memref<10240x64xf32, #tpu.memory_space<vmem_shared>>)
        tpu.yield
      }) : () -> ()
    }
    %while3A_19 = arith.constant 1 : i32
    scf.for %while3A_21 = %while3A_17 to %while3A_13 step %while3A_19  : i32 {
      %mul3A_22 = arith.constant 2 : i32
      %mul3A_23 = arith.muli %while3A_21, %mul3A_22 : i32
      %add3A_24 = arith.constant 1 : i32
      %add3A_25 = arith.addi %mul3A_23, %add3A_24 : i32
      %dma_start3A_26 = arith.constant 0 : i32
      %dma_start3A_27 = tpu.memref_slice %arg6[%add3A_25, %dma_start3A_26] : memref<80x128xi32, #tpu.memory_space<vmem>> -> memref<1x128xi32, #tpu.memory_space<vmem>>
      %dma_start3A_28 = tpu.memref_squeeze %dma_start3A_27 : memref<1x128xi32, #tpu.memory_space<vmem>> -> memref<128xi32, #tpu.memory_space<vmem>>
      %dma_start3A_29 = arith.constant 0 : i32
      %dma_start3A_30 = arith.constant 0 : i32
      %dma_start3A_31 = tpu.memref_slice %arg2[%dma_start3A_29, %dma_start3A_30] : memref<10240x64xf32, #tpu.memory_space<hbm>> -> memref<10240x64xf32, #tpu.memory_space<hbm>>
      tpu.enqueue_indirect_dma source(%dma_start3A_31 : memref<10240x64xf32, #tpu.memory_space<hbm>>) target(%arg9 : memref<128x64xf32, #tpu.memory_space<vmem>>) offsets(%dma_start3A_28 : memref<128xi32, #tpu.memory_space<vmem>>) semaphore(%arg12 : memref<!tpu.dma_semaphore, #tpu.memory_space<semaphore_mem>>)
      %dma_wait3A = arith.constant 0 : i32
      %dma_wait3A_32 = arith.constant 0 : i32
      %dma_wait3A_33 = tpu.memref_slice %arg6[%dma_wait3A, %dma_wait3A_32] : memref<80x128xi32, #tpu.memory_space<vmem>> -> memref<1x128xi32, #tpu.memory_space<vmem>>
      %dma_wait3A_34 = tpu.memref_squeeze %dma_wait3A_33 : memref<1x128xi32, #tpu.memory_space<vmem>> -> memref<128xi32, #tpu.memory_space<vmem>>
      %dma_wait3A_35 = arith.constant 0 : i32
      %dma_wait3A_36 = arith.constant 0 : i32
      %dma_wait3A_37 = tpu.memref_slice %arg2[%dma_wait3A_35, %dma_wait3A_36] : memref<10240x64xf32, #tpu.memory_space<hbm>> -> memref<10240x64xf32, #tpu.memory_space<hbm>>
      tpu.wait_indirect_dma semaphore(%arg11 : memref<!tpu.dma_semaphore, #tpu.memory_space<semaphore_mem>>) src(%dma_wait3A_37 : memref<10240x64xf32, #tpu.memory_space<hbm>>) dst(%arg8 : memref<128x64xf32, #tpu.memory_space<vmem>>)
      "tpu.region"() ({
        %run_scoped3A = tpu.sem_alloc : memref<!tpu.dma_semaphore, #tpu.memory_space<semaphore_mem>>
        %dma_start3A_49 = arith.constant 0 : i32
        %dma_start3A_50 = tpu.memref_slice %arg7[%mul3A_23, %dma_start3A_49] : memref<80x128xi32, #tpu.memory_space<vmem>> -> memref<1x128xi32, #tpu.memory_space<vmem>>
        %dma_start3A_51 = tpu.memref_squeeze %dma_start3A_50 : memref<1x128xi32, #tpu.memory_space<vmem>> -> memref<128xi32, #tpu.memory_space<vmem>>
        %dma_start3A_52 = arith.constant 0 : i32
        %dma_start3A_53 = arith.constant 0 : i32
        %dma_start3A_54 = tpu.memref_slice %arg10[%dma_start3A_52, %dma_start3A_53] : memref<10240x64xf32, #tpu.memory_space<vmem_shared>> -> memref<10240x64xf32, #tpu.memory_space<vmem_shared>>
        tpu.enqueue_indirect_dma source(%arg8 : memref<128x64xf32, #tpu.memory_space<vmem>>) target(%dma_start3A_54 : memref<10240x64xf32, #tpu.memory_space<vmem_shared>>) offsets(%dma_start3A_51 : memref<128xi32, #tpu.memory_space<vmem>>) semaphore(%run_scoped3A : memref<!tpu.dma_semaphore, #tpu.memory_space<semaphore_mem>>) {add = true}
        %dma_wait3A_55 = arith.constant 0 : i32
        %dma_wait3A_56 = tpu.memref_slice %arg7[%mul3A_23, %dma_wait3A_55] : memref<80x128xi32, #tpu.memory_space<vmem>> -> memref<1x128xi32, #tpu.memory_space<vmem>>
        %dma_wait3A_57 = tpu.memref_squeeze %dma_wait3A_56 : memref<1x128xi32, #tpu.memory_space<vmem>> -> memref<128xi32, #tpu.memory_space<vmem>>
        %dma_wait3A_58 = arith.constant 0 : i32
        %dma_wait3A_59 = arith.constant 0 : i32
        %dma_wait3A_60 = tpu.memref_slice %arg10[%dma_wait3A_58, %dma_wait3A_59] : memref<10240x64xf32, #tpu.memory_space<vmem_shared>> -> memref<10240x64xf32, #tpu.memory_space<vmem_shared>>
        tpu.wait_indirect_dma semaphore(%run_scoped3A : memref<!tpu.dma_semaphore, #tpu.memory_space<semaphore_mem>>) src(%arg8 : memref<128x64xf32, #tpu.memory_space<vmem>>) dst(%dma_wait3A_60 : memref<10240x64xf32, #tpu.memory_space<vmem_shared>>)
        tpu.yield
      }) : () -> ()
      %sub3A = arith.constant 1 : i32
      %sub3A_38 = arith.subi %select_n3A, %sub3A : i32
      %lt3A = arith.cmpi slt, %while3A_21, %sub3A_38 : i32
      %convert_element_type3A = arith.extui %lt3A : i1 to i32
      %cond3A = arith.constant 0 : i32
      %cond3A_39 = arith.cmpi ne, %convert_element_type3A, %cond3A : i32
      scf.if %cond3A_39 {
        %add3A_49 = arith.constant 2 : i32
        %add3A_50 = arith.addi %mul3A_23, %add3A_49 : i32
        %dma_start3A_51 = arith.constant 0 : i32
        %dma_start3A_52 = tpu.memref_slice %arg6[%add3A_50, %dma_start3A_51] : memref<80x128xi32, #tpu.memory_space<vmem>> -> memref<1x128xi32, #tpu.memory_space<vmem>>
        %dma_start3A_53 = tpu.memref_squeeze %dma_start3A_52 : memref<1x128xi32, #tpu.memory_space<vmem>> -> memref<128xi32, #tpu.memory_space<vmem>>
        %dma_start3A_54 = arith.constant 0 : i32
        %dma_start3A_55 = arith.constant 0 : i32
        %dma_start3A_56 = tpu.memref_slice %arg2[%dma_start3A_54, %dma_start3A_55] : memref<10240x64xf32, #tpu.memory_space<hbm>> -> memref<10240x64xf32, #tpu.memory_space<hbm>>
        tpu.enqueue_indirect_dma source(%dma_start3A_56 : memref<10240x64xf32, #tpu.memory_space<hbm>>) target(%arg8 : memref<128x64xf32, #tpu.memory_space<vmem>>) offsets(%dma_start3A_53 : memref<128xi32, #tpu.memory_space<vmem>>) semaphore(%arg11 : memref<!tpu.dma_semaphore, #tpu.memory_space<semaphore_mem>>)
      } else {
      }
      %dma_wait3A_40 = arith.constant 0 : i32
      %dma_wait3A_41 = arith.constant 0 : i32
      %dma_wait3A_42 = tpu.memref_slice %arg6[%dma_wait3A_40, %dma_wait3A_41] : memref<80x128xi32, #tpu.memory_space<vmem>> -> memref<1x128xi32, #tpu.memory_space<vmem>>
      %dma_wait3A_43 = tpu.memref_squeeze %dma_wait3A_42 : memref<1x128xi32, #tpu.memory_space<vmem>> -> memref<128xi32, #tpu.memory_space<vmem>>
      %dma_wait3A_44 = arith.constant 0 : i32
      %dma_wait3A_45 = arith.constant 0 : i32
      %dma_wait3A_46 = tpu.memref_slice %arg2[%dma_wait3A_44, %dma_wait3A_45] : memref<10240x64xf32, #tpu.memory_space<hbm>> -> memref<10240x64xf32, #tpu.memory_space<hbm>>
      tpu.wait_indirect_dma semaphore(%arg12 : memref<!tpu.dma_semaphore, #tpu.memory_space<semaphore_mem>>) src(%dma_wait3A_46 : memref<10240x64xf32, #tpu.memory_space<hbm>>) dst(%arg9 : memref<128x64xf32, #tpu.memory_space<vmem>>)
      %add3A_47 = arith.constant 1 : i32
      %add3A_48 = arith.addi %mul3A_23, %add3A_47 : i32
      "tpu.region"() ({
        %run_scoped3A = tpu.sem_alloc : memref<!tpu.dma_semaphore, #tpu.memory_space<semaphore_mem>>
        %dma_start3A_49 = arith.constant 0 : i32
        %dma_start3A_50 = tpu.memref_slice %arg7[%add3A_48, %dma_start3A_49] : memref<80x128xi32, #tpu.memory_space<vmem>> -> memref<1x128xi32, #tpu.memory_space<vmem>>
        %dma_start3A_51 = tpu.memref_squeeze %dma_start3A_50 : memref<1x128xi32, #tpu.memory_space<vmem>> -> memref<128xi32, #tpu.memory_space<vmem>>
        %dma_start3A_52 = arith.constant 0 : i32
        %dma_start3A_53 = arith.constant 0 : i32
        %dma_start3A_54 = tpu.memref_slice %arg10[%dma_start3A_52, %dma_start3A_53] : memref<10240x64xf32, #tpu.memory_space<vmem_shared>> -> memref<10240x64xf32, #tpu.memory_space<vmem_shared>>
        tpu.enqueue_indirect_dma source(%arg9 : memref<128x64xf32, #tpu.memory_space<vmem>>) target(%dma_start3A_54 : memref<10240x64xf32, #tpu.memory_space<vmem_shared>>) offsets(%dma_start3A_51 : memref<128xi32, #tpu.memory_space<vmem>>) semaphore(%run_scoped3A : memref<!tpu.dma_semaphore, #tpu.memory_space<semaphore_mem>>) {add = true}
        %dma_wait3A_55 = arith.constant 0 : i32
        %dma_wait3A_56 = tpu.memref_slice %arg7[%add3A_48, %dma_wait3A_55] : memref<80x128xi32, #tpu.memory_space<vmem>> -> memref<1x128xi32, #tpu.memory_space<vmem>>
        %dma_wait3A_57 = tpu.memref_squeeze %dma_wait3A_56 : memref<1x128xi32, #tpu.memory_space<vmem>> -> memref<128xi32, #tpu.memory_space<vmem>>
        %dma_wait3A_58 = arith.constant 0 : i32
        %dma_wait3A_59 = arith.constant 0 : i32
        %dma_wait3A_60 = tpu.memref_slice %arg10[%dma_wait3A_58, %dma_wait3A_59] : memref<10240x64xf32, #tpu.memory_space<vmem_shared>> -> memref<10240x64xf32, #tpu.memory_space<vmem_shared>>
        tpu.wait_indirect_dma semaphore(%run_scoped3A : memref<!tpu.dma_semaphore, #tpu.memory_space<semaphore_mem>>) src(%arg9 : memref<128x64xf32, #tpu.memory_space<vmem>>) dst(%dma_wait3A_60 : memref<10240x64xf32, #tpu.memory_space<vmem_shared>>)
        tpu.yield
      }) : () -> ()
    }
    %barrier3A_20 = arith.constant 0 : index
    tpu.barrier barrier_id(%barrier3A_20)
    "tpu.region"() ({
      %run_scoped3A = tpu.sem_alloc : memref<!tpu.dma_semaphore, #tpu.memory_space<semaphore_mem>>
      %dma_start3A_21 = arith.constant 0 : i32
      %dma_start3A_22 = tpu.memref_slice %arg5[%arg0, %mul3A_2, %dma_start3A_21] : memref<2x10240x64xf32, #tpu.memory_space<hbm>> -> memref<1x640x64xf32, #tpu.memory_space<hbm>>
      %dma_start3A_23 = tpu.memref_squeeze %dma_start3A_22 : memref<1x640x64xf32, #tpu.memory_space<hbm>> -> memref<640x64xf32, #tpu.memory_space<hbm>>
      %dma_start3A_24 = arith.constant 0 : i32
      %dma_start3A_25 = tpu.memref_slice %arg10[%mul3A_2, %dma_start3A_24] : memref<10240x64xf32, #tpu.memory_space<vmem_shared>> -> memref<640x64xf32, #tpu.memory_space<vmem_shared>>
      tpu.enqueue_dma source(%dma_start3A_25 : memref<640x64xf32, #tpu.memory_space<vmem_shared>>) target(%dma_start3A_23 : memref<640x64xf32, #tpu.memory_space<hbm>>) target_semaphore(%run_scoped3A : memref<!tpu.dma_semaphore, #tpu.memory_space<semaphore_mem>>)
      %dma_wait3A = arith.constant 0 : i32
      %dma_wait3A_26 = tpu.memref_slice %arg5[%arg0, %mul3A_2, %dma_wait3A] : memref<2x10240x64xf32, #tpu.memory_space<hbm>> -> memref<1x640x64xf32, #tpu.memory_space<hbm>>
      %dma_wait3A_27 = tpu.memref_squeeze %dma_wait3A_26 : memref<1x640x64xf32, #tpu.memory_space<hbm>> -> memref<640x64xf32, #tpu.memory_space<hbm>>
      %dma_wait3A_28 = arith.constant 0 : i32
      %dma_wait3A_29 = tpu.memref_slice %arg10[%mul3A_2, %dma_wait3A_28] : memref<10240x64xf32, #tpu.memory_space<vmem_shared>> -> memref<640x64xf32, #tpu.memory_space<vmem_shared>>
      tpu.wait_dma2 semaphore(%run_scoped3A : memref<!tpu.dma_semaphore, #tpu.memory_space<semaphore_mem>>) src(%dma_wait3A_29 : memref<640x64xf32, #tpu.memory_space<vmem_shared>>) dst(%dma_wait3A_27 : memref<640x64xf32, #tpu.memory_space<hbm>>)
      tpu.yield
    }) : () -> ()
    return
  }
}

module attributes {stable_mosaic.version = 14 : i64} {
  func.func @body(%arg0: i32, %arg1: memref<1280x16xf32, #tpu.memory_space<vmem>>, %arg2: memref<1280x16xf32, #tpu.memory_space<vmem>>, %arg3: memref<1280x128xf32, #tpu.memory_space<vmem>>, %arg4: memref<128x64xf32, #tpu.memory_space<vmem>>, %arg5: memref<1280x1xf32, #tpu.memory_space<vmem>>, %arg6: memref<1280x64xf32, #tpu.memory_space<vmem>>) attributes {dimension_semantics = [#tpu.dimension_semantics<arbitrary>], iteration_bounds = array<i64: 8>, scalar_prefetch = 0 : i64, scratch_operands = 0 : i64, tpu.core_type = #tpu.core_type<tc>, window_params = [{transform_indices = @transform_0, window_bounds = array<i64: 1280, 16>}, {transform_indices = @transform_1, window_bounds = array<i64: 1280, 16>}, {transform_indices = @transform_2, window_bounds = array<i64: 1280, 128>}, {pipeline_mode = #tpu.pipeline_mode<synchronous>, transform_indices = @transform_3, window_bounds = array<i64: 128, 64>}, {transform_indices = @transform_4, window_bounds = array<i64: 1280, 1>}, {transform_indices = @transform_5, window_bounds = array<i64: 1280, 64>}]} {
    %get3A = arith.constant 0 : index
    %get3A_0 = arith.constant 0 : index
    %get3A_1 = vector.load %arg1[%get3A, %get3A_0] : memref<1280x16xf32, #tpu.memory_space<vmem>>, vector<1280x16xf32>
    %slice3A = vector.extract_strided_slice %get3A_1 {offsets = [0, 0], sizes = [1280, 1], strides = [1, 1]} : vector<1280x16xf32> to vector<1280x1xf32>
    %get3A_2 = arith.constant 0 : index
    %get3A_3 = arith.constant 0 : index
    %get3A_4 = vector.load %arg2[%get3A_2, %get3A_3] : memref<1280x16xf32, #tpu.memory_space<vmem>>, vector<1280x16xf32>
    %slice3A_5 = vector.extract_strided_slice %get3A_4 {offsets = [0, 0], sizes = [1280, 1], strides = [1, 1]} : vector<1280x16xf32> to vector<1280x1xf32>
    %add3A = arith.addf %slice3A, %slice3A_5 : vector<1280x1xf32>
    %sub3A = arith.constant 1.000000e+00 : f32
    %sub3A_6 = vector.broadcast %sub3A : f32 to vector<1280x1xf32>
    %sub3A_7 = arith.subf %add3A, %sub3A_6 : vector<1280x1xf32>
    %rsqrt3A = math.rsqrt %sub3A_7 : vector<1280x1xf32>
    %mul3A = arith.constant 5.000000e-01 : f32
    %mul3A_8 = vector.broadcast %mul3A : f32 to vector<1280x1xf32>
    %mul3A_9 = arith.mulf %mul3A_8, %sub3A_7 : vector<1280x1xf32>
    %mul3A_10 = arith.mulf %mul3A_9, %rsqrt3A : vector<1280x1xf32>
    %mul3A_11 = arith.mulf %mul3A_10, %rsqrt3A : vector<1280x1xf32>
    %sub3A_12 = arith.constant 1.500000e+00 : f32
    %sub3A_13 = vector.broadcast %sub3A_12 : f32 to vector<1280x1xf32>
    %sub3A_14 = arith.subf %sub3A_13, %mul3A_11 : vector<1280x1xf32>
    %mul3A_15 = arith.mulf %rsqrt3A, %sub3A_14 : vector<1280x1xf32>
    %swap3A = arith.constant 0 : index
    %swap3A_16 = arith.constant 0 : index
    %swap3A_17 = vector.load %arg5[%swap3A, %swap3A_16] : memref<1280x1xf32, #tpu.memory_space<vmem>>, vector<1280x1xf32>
    tpu.vector_store %arg5[%swap3A, %swap3A_16], %mul3A_15 {strides = array<i32>} : memref<1280x1xf32, #tpu.memory_space<vmem>>, vector<1280x1xf32>,
    %get3A_18 = arith.constant 0 : index
    %get3A_19 = arith.constant 0 : index
    %get3A_20 = vector.load %arg3[%get3A_18, %get3A_19] : memref<1280x128xf32, #tpu.memory_space<vmem>>, vector<1280x128xf32>
    %get3A_21 = arith.constant 0 : index
    %get3A_22 = arith.constant 0 : index
    %get3A_23 = vector.load %arg4[%get3A_21, %get3A_22] : memref<128x64xf32, #tpu.memory_space<vmem>>, vector<128x64xf32>
    %dot_general3A = arith.constant dense<0.000000e+00> : vector<1280x64xf32>
    %dot_general3A_24 = tpu.matmul %get3A_20, %get3A_23, %dot_general3A {dimension_numbers = #tpu.dot_dimension_numbers<[1], [0], [0], [1], [0, 0, 1, 1], [], []>, transpose_lhs_hint = false} : vector<1280x128xf32>, vector<128x64xf32>, vector<1280x64xf32> -> vector<1280x64xf32>
    %mul3A_25 = vector.broadcast %mul3A_15 : vector<1280x1xf32> to vector<1280x64xf32>
    %mul3A_26 = arith.mulf %mul3A_25, %dot_general3A_24 : vector<1280x64xf32>
    %swap3A_27 = arith.constant 0 : index
    %swap3A_28 = arith.constant 0 : index
    %swap3A_29 = vector.load %arg6[%swap3A_27, %swap3A_28] : memref<1280x64xf32, #tpu.memory_space<vmem>>, vector<1280x64xf32>
    tpu.vector_store %arg6[%swap3A_27, %swap3A_28], %mul3A_26 {strides = array<i32>} : memref<1280x64xf32, #tpu.memory_space<vmem>>, vector<1280x64xf32>,
    return
  }
  func.func @transform_0(%arg0: i32) -> (i32, i32) {
    %c0_i32 = arith.constant 0 : i32
    %c0_i32_0 = arith.constant 0 : i32
    return %arg0, %c0_i32 : i32, i32
  }
  func.func @transform_1(%arg0: i32) -> (i32, i32) {
    %c0_i32 = arith.constant 0 : i32
    %c0_i32_0 = arith.constant 0 : i32
    return %arg0, %c0_i32 : i32, i32
  }
  func.func @transform_2(%arg0: i32) -> (i32, i32) {
    %c0_i32 = arith.constant 0 : i32
    %c0_i32_0 = arith.constant 0 : i32
    return %arg0, %c0_i32 : i32, i32
  }
  func.func @transform_3(%arg0: i32) -> (i32, i32) {
    %c0_i32 = arith.constant 0 : i32
    %c0_i32_0 = arith.constant 0 : i32
    %c0_i32_1 = arith.constant 0 : i32
    return %c0_i32, %c0_i32_0 : i32, i32
  }
  func.func @transform_4(%arg0: i32) -> (i32, i32) {
    %c0_i32 = arith.constant 0 : i32
    %c0_i32_0 = arith.constant 0 : i32
    return %arg0, %c0_i32 : i32, i32
  }
  func.func @transform_5(%arg0: i32) -> (i32, i32) {
    %c0_i32 = arith.constant 0 : i32
    %c0_i32_0 = arith.constant 0 : i32
    return %arg0, %c0_i32 : i32, i32
  }
}

module attributes {stable_mosaic.version = 14 : i64} {
  func.func @body(%arg0: i32, %arg1: memref<1280x64xf32, #tpu.memory_space<vmem>>, %arg2: memref<1280x64xf32, #tpu.memory_space<vmem>>, %arg3: memref<1280x64xf32, #tpu.memory_space<vmem>>, %arg4: memref<1280x1xf32, #tpu.memory_space<vmem>>, %arg5: memref<1x64xf32, #tpu.memory_space<vmem>>, %arg6: memref<64x64xf32, #tpu.memory_space<vmem>>, %arg7: memref<1280x64xf32, #tpu.memory_space<vmem>>) attributes {dimension_semantics = [#tpu.dimension_semantics<arbitrary>], iteration_bounds = array<i64: 8>, scalar_prefetch = 0 : i64, scratch_operands = 0 : i64, tpu.core_type = #tpu.core_type<tc>, window_params = [{transform_indices = @transform_0, window_bounds = array<i64: 1280, 64>}, {transform_indices = @transform_1, window_bounds = array<i64: 1280, 64>}, {transform_indices = @transform_2, window_bounds = array<i64: 1280, 64>}, {transform_indices = @transform_3, window_bounds = array<i64: 1280, 1>}, {pipeline_mode = #tpu.pipeline_mode<synchronous>, transform_indices = @transform_4, window_bounds = array<i64: 1, 64>}, {pipeline_mode = #tpu.pipeline_mode<synchronous>, transform_indices = @transform_5, window_bounds = array<i64: 64, 64>}, {transform_indices = @transform_6, window_bounds = array<i64: 1280, 64>}]} {
    %get3A = arith.constant 0 : index
    %get3A_0 = arith.constant 0 : index
    %get3A_1 = vector.load %arg4[%get3A, %get3A_0] : memref<1280x1xf32, #tpu.memory_space<vmem>>, vector<1280x1xf32>
    %get3A_2 = arith.constant 0 : index
    %get3A_3 = arith.constant 0 : index
    %get3A_4 = vector.load %arg1[%get3A_2, %get3A_3] : memref<1280x64xf32, #tpu.memory_space<vmem>>, vector<1280x64xf32>
    %get3A_5 = arith.constant 0 : index
    %get3A_6 = arith.constant 0 : index
    %get3A_7 = vector.load %arg2[%get3A_5, %get3A_6] : memref<1280x64xf32, #tpu.memory_space<vmem>>, vector<1280x64xf32>
    %add3A = arith.addf %get3A_4, %get3A_7 : vector<1280x64xf32>
    %get3A_8 = arith.constant 0 : index
    %get3A_9 = arith.constant 0 : index
    %get3A_10 = vector.load %arg3[%get3A_8, %get3A_9] : memref<1280x64xf32, #tpu.memory_space<vmem>>, vector<1280x64xf32>
    %sub3A = arith.subf %add3A, %get3A_10 : vector<1280x64xf32>
    %mul3A = vector.broadcast %get3A_1 : vector<1280x1xf32> to vector<1280x64xf32>
    %mul3A_11 = arith.mulf %mul3A, %sub3A : vector<1280x64xf32>
    %get3A_12 = arith.constant 0 : index
    %get3A_13 = arith.constant 0 : index
    %get3A_14 = vector.load %arg5[%get3A_12, %get3A_13] : memref<1x64xf32, #tpu.memory_space<vmem>>, vector<1x64xf32>
    %add3A_15 = vector.broadcast %get3A_14 : vector<1x64xf32> to vector<1280x64xf32>
    %add3A_16 = arith.addf %mul3A_11, %add3A_15 : vector<1280x64xf32>
    %max3A = arith.constant 0.000000e+00 : f32
    %max3A_17 = vector.broadcast %max3A : f32 to vector<1280x64xf32>
    %max3A_18 = arith.maximumf %add3A_16, %max3A_17 : vector<1280x64xf32>
    %get3A_19 = arith.constant 0 : index
    %get3A_20 = arith.constant 0 : index
    %get3A_21 = vector.load %arg6[%get3A_19, %get3A_20] : memref<64x64xf32, #tpu.memory_space<vmem>>, vector<64x64xf32>
    %dot_general3A = arith.constant dense<0.000000e+00> : vector<1280x64xf32>
    %dot_general3A_22 = tpu.matmul %max3A_18, %get3A_21, %dot_general3A {dimension_numbers = #tpu.dot_dimension_numbers<[1], [0], [0], [1], [0, 0, 1, 1], [], []>, transpose_lhs_hint = false} : vector<1280x64xf32>, vector<64x64xf32>, vector<1280x64xf32> -> vector<1280x64xf32>
    %mul3A_23 = vector.broadcast %get3A_1 : vector<1280x1xf32> to vector<1280x64xf32>
    %mul3A_24 = arith.mulf %mul3A_23, %dot_general3A_22 : vector<1280x64xf32>
    %swap3A = arith.constant 0 : index
    %swap3A_25 = arith.constant 0 : index
    %swap3A_26 = vector.load %arg7[%swap3A, %swap3A_25] : memref<1280x64xf32, #tpu.memory_space<vmem>>, vector<1280x64xf32>
    tpu.vector_store %arg7[%swap3A, %swap3A_25], %mul3A_24 {strides = array<i32>} : memref<1280x64xf32, #tpu.memory_space<vmem>>, vector<1280x64xf32>,
    return
  }
  func.func @transform_0(%arg0: i32) -> (i32, i32) {
    %c0_i32 = arith.constant 0 : i32
    %c0_i32_0 = arith.constant 0 : i32
    return %arg0, %c0_i32 : i32, i32
  }
  func.func @transform_1(%arg0: i32) -> (i32, i32) {
    %c0_i32 = arith.constant 0 : i32
    %c0_i32_0 = arith.constant 0 : i32
    return %arg0, %c0_i32 : i32, i32
  }
  func.func @transform_2(%arg0: i32) -> (i32, i32) {
    %c0_i32 = arith.constant 0 : i32
    %c0_i32_0 = arith.constant 0 : i32
    return %arg0, %c0_i32 : i32, i32
  }
  func.func @transform_3(%arg0: i32) -> (i32, i32) {
    %c0_i32 = arith.constant 0 : i32
    %c0_i32_0 = arith.constant 0 : i32
    return %arg0, %c0_i32 : i32, i32
  }
  func.func @transform_4(%arg0: i32) -> (i32, i32) {
    %c0_i32 = arith.constant 0 : i32
    %c0_i32_0 = arith.constant 0 : i32
    %c0_i32_1 = arith.constant 0 : i32
    return %c0_i32, %c0_i32_0 : i32, i32
  }
  func.func @transform_5(%arg0: i32) -> (i32, i32) {
    %c0_i32 = arith.constant 0 : i32
    %c0_i32_0 = arith.constant 0 : i32
    %c0_i32_1 = arith.constant 0 : i32
    return %c0_i32, %c0_i32_0 : i32, i32
  }
  func.func @transform_6(%arg0: i32) -> (i32, i32) {
    %c0_i32 = arith.constant 0 : i32
    %c0_i32_0 = arith.constant 0 : i32
    return %arg0, %c0_i32 : i32, i32
  }
}

module attributes {stable_mosaic.version = 14 : i64} {
  func.func @body(%arg0: i32, %arg1: memref<1280x64xf32, #tpu.memory_space<vmem>>, %arg2: memref<1280x64xf32, #tpu.memory_space<vmem>>, %arg3: memref<1280x64xf32, #tpu.memory_space<vmem>>, %arg4: memref<1280x1xf32, #tpu.memory_space<vmem>>, %arg5: memref<1280x1xi32, #tpu.memory_space<vmem>>, %arg6: memref<1x64xf32, #tpu.memory_space<vmem>>, %arg7: memref<64x1xf32, #tpu.memory_space<vmem>>, %arg8: memref<1x1xf32, #tpu.memory_space<vmem>>, %arg9: memref<128x1xf32, #tpu.memory_space<vmem>>, %arg10: memref<128x64xf32, #tpu.memory_space<vmem>>, %arg11: memref<128x1xf32, #tpu.memory_space<vmem>>) attributes {dimension_semantics = [#tpu.dimension_semantics<arbitrary>], iteration_bounds = array<i64: 8>, scalar_prefetch = 0 : i64, scratch_operands = 2 : i64, tpu.core_type = #tpu.core_type<tc>, window_params = [{transform_indices = @transform_0, window_bounds = array<i64: 1280, 64>}, {transform_indices = @transform_1, window_bounds = array<i64: 1280, 64>}, {transform_indices = @transform_2, window_bounds = array<i64: 1280, 64>}, {transform_indices = @transform_3, window_bounds = array<i64: 1280, 1>}, {transform_indices = @transform_4, window_bounds = array<i64: 1280, 1>}, {pipeline_mode = #tpu.pipeline_mode<synchronous>, transform_indices = @transform_5, window_bounds = array<i64: 1, 64>}, {pipeline_mode = #tpu.pipeline_mode<synchronous>, transform_indices = @transform_6, window_bounds = array<i64: 64, 1>}, {pipeline_mode = #tpu.pipeline_mode<synchronous>, transform_indices = @transform_7, window_bounds = array<i64: 1, 1>}, {pipeline_mode = #tpu.pipeline_mode<synchronous>, transform_indices = @transform_8, window_bounds = array<i64: 128, 1>}]} {
    %eq3A = arith.constant 0 : i32
    %eq3A_0 = arith.cmpi eq, %arg0, %eq3A : i32
    %convert_element_type3A = arith.extui %eq3A_0 : i1 to i32
    %cond3A = arith.constant 0 : i32
    %cond3A_1 = arith.cmpi ne, %convert_element_type3A, %cond3A : i32
    scf.if %cond3A_1 {
      %broadcast_in_dim3A_48 = arith.constant 0.000000e+00 : f32
      %broadcast_in_dim3A_49 = vector.broadcast %broadcast_in_dim3A_48 : f32 to vector<128x64xf32>
      %swap3A_50 = arith.constant 0 : index
      %swap3A_51 = arith.constant 0 : index
      %swap3A_52 = vector.load %arg10[%swap3A_50, %swap3A_51] : memref<128x64xf32, #tpu.memory_space<vmem>>, vector<128x64xf32>
      tpu.vector_store %arg10[%swap3A_50, %swap3A_51], %broadcast_in_dim3A_49 {strides = array<i32>} : memref<128x64xf32, #tpu.memory_space<vmem>>, vector<128x64xf32>,
      %broadcast_in_dim3A_53 = arith.constant 0.000000e+00 : f32
      %broadcast_in_dim3A_54 = vector.broadcast %broadcast_in_dim3A_53 : f32 to vector<128x1xf32>
      %swap3A_55 = arith.constant 0 : index
      %swap3A_56 = arith.constant 0 : index
      %swap3A_57 = vector.load %arg11[%swap3A_55, %swap3A_56] : memref<128x1xf32, #tpu.memory_space<vmem>>, vector<128x1xf32>
      tpu.vector_store %arg11[%swap3A_55, %swap3A_56], %broadcast_in_dim3A_54 {strides = array<i32>} : memref<128x1xf32, #tpu.memory_space<vmem>>, vector<128x1xf32>,
    } else {
    }
    %get3A = arith.constant 0 : index
    %get3A_2 = arith.constant 0 : index
    %get3A_3 = vector.load %arg4[%get3A, %get3A_2] : memref<1280x1xf32, #tpu.memory_space<vmem>>, vector<1280x1xf32>
    %get3A_4 = arith.constant 0 : index
    %get3A_5 = arith.constant 0 : index
    %get3A_6 = vector.load %arg1[%get3A_4, %get3A_5] : memref<1280x64xf32, #tpu.memory_space<vmem>>, vector<1280x64xf32>
    %get3A_7 = arith.constant 0 : index
    %get3A_8 = arith.constant 0 : index
    %get3A_9 = vector.load %arg2[%get3A_7, %get3A_8] : memref<1280x64xf32, #tpu.memory_space<vmem>>, vector<1280x64xf32>
    %add3A = arith.addf %get3A_6, %get3A_9 : vector<1280x64xf32>
    %get3A_10 = arith.constant 0 : index
    %get3A_11 = arith.constant 0 : index
    %get3A_12 = vector.load %arg3[%get3A_10, %get3A_11] : memref<1280x64xf32, #tpu.memory_space<vmem>>, vector<1280x64xf32>
    %sub3A = arith.subf %add3A, %get3A_12 : vector<1280x64xf32>
    %mul3A = vector.broadcast %get3A_3 : vector<1280x1xf32> to vector<1280x64xf32>
    %mul3A_13 = arith.mulf %mul3A, %sub3A : vector<1280x64xf32>
    %get3A_14 = arith.constant 0 : index
    %get3A_15 = arith.constant 0 : index
    %get3A_16 = vector.load %arg6[%get3A_14, %get3A_15] : memref<1x64xf32, #tpu.memory_space<vmem>>, vector<1x64xf32>
    %add3A_17 = vector.broadcast %get3A_16 : vector<1x64xf32> to vector<1280x64xf32>
    %add3A_18 = arith.addf %mul3A_13, %add3A_17 : vector<1280x64xf32>
    %get3A_19 = arith.constant 0 : index
    %get3A_20 = arith.constant 0 : index
    %get3A_21 = vector.load %arg5[%get3A_19, %get3A_20] : memref<1280x1xi32, #tpu.memory_space<vmem>>, vector<1280x1xi32>
    %iota3A = tpu.iota {dimensions = array<i32: 1>} : vector<1280x128xi32>
    %eq3A_22 = vector.broadcast %get3A_21 : vector<1280x1xi32> to vector<1280x128xi32>
    %eq3A_23 = arith.cmpi eq, %eq3A_22, %iota3A : vector<1280x128xi32>
    %convert_element_type3A_24 = arith.extui %eq3A_23 : vector<1280x128xi1> to vector<1280x128xi32>
    %convert_element_type3A_25 = arith.sitofp %convert_element_type3A_24 : vector<1280x128xi32> to vector<1280x128xf32>
    %get3A_26 = arith.constant 0 : index
    %get3A_27 = arith.constant 0 : index
    %get3A_28 = vector.load %arg10[%get3A_26, %get3A_27] : memref<128x64xf32, #tpu.memory_space<vmem>>, vector<128x64xf32>
    %dot_general3A = arith.constant dense<0.000000e+00> : vector<128x64xf32>
    %dot_general3A_29 = tpu.matmul %convert_element_type3A_25, %add3A_18, %dot_general3A {dimension_numbers = #tpu.dot_dimension_numbers<[0], [0], [1], [1], [0, 1, 1, 1], [], []>, precision = #tpu.contract_precision<fp32>, transpose_lhs_hint = false} : vector<1280x128xf32>, vector<1280x64xf32>, vector<128x64xf32> -> vector<128x64xf32>
    %add3A_30 = arith.addf %get3A_28, %dot_general3A_29 : vector<128x64xf32>
    %swap3A = arith.constant 0 : index
    %swap3A_31 = arith.constant 0 : index
    %swap3A_32 = vector.load %arg10[%swap3A, %swap3A_31] : memref<128x64xf32, #tpu.memory_space<vmem>>, vector<128x64xf32>
    tpu.vector_store %arg10[%swap3A, %swap3A_31], %add3A_30 {strides = array<i32>} : memref<128x64xf32, #tpu.memory_space<vmem>>, vector<128x64xf32>,
    %get3A_33 = arith.constant 0 : index
    %get3A_34 = arith.constant 0 : index
    %get3A_35 = vector.load %arg11[%get3A_33, %get3A_34] : memref<128x1xf32, #tpu.memory_space<vmem>>, vector<128x1xf32>
    %broadcast_in_dim3A = arith.constant 1.000000e+00 : f32
    %broadcast_in_dim3A_36 = vector.broadcast %broadcast_in_dim3A : f32 to vector<1280x1xf32>
    %dot_general3A_37 = arith.constant dense<0.000000e+00> : vector<128x1xf32>
    %dot_general3A_38 = tpu.matmul %convert_element_type3A_25, %broadcast_in_dim3A_36, %dot_general3A_37 {dimension_numbers = #tpu.dot_dimension_numbers<[0], [0], [1], [1], [0, 1, 1, 1], [], []>, precision = #tpu.contract_precision<fp32>, transpose_lhs_hint = false} : vector<1280x128xf32>, vector<1280x1xf32>, vector<128x1xf32> -> vector<128x1xf32>
    %add3A_39 = arith.addf %get3A_35, %dot_general3A_38 : vector<128x1xf32>
    %swap3A_40 = arith.constant 0 : index
    %swap3A_41 = arith.constant 0 : index
    %swap3A_42 = vector.load %arg11[%swap3A_40, %swap3A_41] : memref<128x1xf32, #tpu.memory_space<vmem>>, vector<128x1xf32>
    tpu.vector_store %arg11[%swap3A_40, %swap3A_41], %add3A_39 {strides = array<i32>} : memref<128x1xf32, #tpu.memory_space<vmem>>, vector<128x1xf32>,
    %eq3A_43 = arith.constant 7 : i32
    %eq3A_44 = arith.cmpi eq, %arg0, %eq3A_43 : i32
    %convert_element_type3A_45 = arith.extui %eq3A_44 : i1 to i32
    %cond3A_46 = arith.constant 0 : i32
    %cond3A_47 = arith.cmpi ne, %convert_element_type3A_45, %cond3A_46 : i32
    scf.if %cond3A_47 {
      %get3A_48 = arith.constant 0 : index
      %get3A_49 = arith.constant 0 : index
      %get3A_50 = vector.load %arg10[%get3A_48, %get3A_49] : memref<128x64xf32, #tpu.memory_space<vmem>>, vector<128x64xf32>
      %get3A_51 = arith.constant 0 : index
      %get3A_52 = arith.constant 0 : index
      %get3A_53 = vector.load %arg11[%get3A_51, %get3A_52] : memref<128x1xf32, #tpu.memory_space<vmem>>, vector<128x1xf32>
      %max3A = arith.constant 1.000000e+00 : f32
      %max3A_54 = vector.broadcast %max3A : f32 to vector<128x1xf32>
      %max3A_55 = arith.maximumf %get3A_53, %max3A_54 : vector<128x1xf32>
      %div3A = vector.broadcast %max3A_55 : vector<128x1xf32> to vector<128x64xf32>
      %div3A_56 = arith.divf %get3A_50, %div3A : vector<128x64xf32>
      %get3A_57 = arith.constant 0 : index
      %get3A_58 = arith.constant 0 : index
      %get3A_59 = vector.load %arg7[%get3A_57, %get3A_58] : memref<64x1xf32, #tpu.memory_space<vmem>>, vector<64x1xf32>
      %dot_general3A_60 = arith.constant dense<0.000000e+00> : vector<128x1xf32>
      %dot_general3A_61 = tpu.matmul %div3A_56, %get3A_59, %dot_general3A_60 {dimension_numbers = #tpu.dot_dimension_numbers<[1], [0], [0], [1], [0, 0, 1, 1], [], []>, transpose_lhs_hint = false} : vector<128x64xf32>, vector<64x1xf32>, vector<128x1xf32> -> vector<128x1xf32>
      %get3A_62 = arith.constant 0 : index
      %get3A_63 = arith.constant 0 : index
      %get3A_64 = vector.load %arg8[%get3A_62, %get3A_63] : memref<1x1xf32, #tpu.memory_space<vmem>>, vector<1x1xf32>
      %add3A_65 = vector.broadcast %get3A_64 : vector<1x1xf32> to vector<128x1xf32>
      %add3A_66 = arith.addf %dot_general3A_61, %add3A_65 : vector<128x1xf32>
      %swap3A_67 = arith.constant 0 : index
      %swap3A_68 = arith.constant 0 : index
      %swap3A_69 = vector.load %arg9[%swap3A_67, %swap3A_68] : memref<128x1xf32, #tpu.memory_space<vmem>>, vector<128x1xf32>
      tpu.vector_store %arg9[%swap3A_67, %swap3A_68], %add3A_66 {strides = array<i32>} : memref<128x1xf32, #tpu.memory_space<vmem>>, vector<128x1xf32>,
    } else {
    }
    return
  }
  func.func @transform_0(%arg0: i32) -> (i32, i32) {
    %c0_i32 = arith.constant 0 : i32
    %c0_i32_0 = arith.constant 0 : i32
    return %arg0, %c0_i32 : i32, i32
  }
  func.func @transform_1(%arg0: i32) -> (i32, i32) {
    %c0_i32 = arith.constant 0 : i32
    %c0_i32_0 = arith.constant 0 : i32
    return %arg0, %c0_i32 : i32, i32
  }
  func.func @transform_2(%arg0: i32) -> (i32, i32) {
    %c0_i32 = arith.constant 0 : i32
    %c0_i32_0 = arith.constant 0 : i32
    return %arg0, %c0_i32 : i32, i32
  }
  func.func @transform_3(%arg0: i32) -> (i32, i32) {
    %c0_i32 = arith.constant 0 : i32
    %c0_i32_0 = arith.constant 0 : i32
    return %arg0, %c0_i32 : i32, i32
  }
  func.func @transform_4(%arg0: i32) -> (i32, i32) {
    %c0_i32 = arith.constant 0 : i32
    %c0_i32_0 = arith.constant 0 : i32
    return %arg0, %c0_i32 : i32, i32
  }
  func.func @transform_5(%arg0: i32) -> (i32, i32) {
    %c0_i32 = arith.constant 0 : i32
    %c0_i32_0 = arith.constant 0 : i32
    %c0_i32_1 = arith.constant 0 : i32
    return %c0_i32, %c0_i32_0 : i32, i32
  }
  func.func @transform_6(%arg0: i32) -> (i32, i32) {
    %c0_i32 = arith.constant 0 : i32
    %c0_i32_0 = arith.constant 0 : i32
    %c0_i32_1 = arith.constant 0 : i32
    return %c0_i32, %c0_i32_0 : i32, i32
  }
  func.func @transform_7(%arg0: i32) -> (i32, i32) {
    %c0_i32 = arith.constant 0 : i32
    %c0_i32_0 = arith.constant 0 : i32
    %c0_i32_1 = arith.constant 0 : i32
    return %c0_i32, %c0_i32_0 : i32, i32
  }
  func.func @transform_8(%arg0: i32) -> (i32, i32) {
    %c0_i32 = arith.constant 0 : i32
    %c0_i32_0 = arith.constant 0 : i32
    %c0_i32_1 = arith.constant 0 : i32
    return %c0_i32, %c0_i32_0 : i32, i32
  }
}

</mosaic_0001>

<sc_bundles>
// kernel: kernel.10.cloned.1.call-start
scs
__scs_entry_jumppad:
0x0: {  	(pc) =	sbr.rel $0x88, $3  }
0x1: {  	(tag) =	ssettag $0x0;
	lr =	simm.s32 $0x1  }
0x2: {  	[smem:$0x3F96] =	sst lr;
	_ =	strace $0xD0000000  }
0x3: {  	_ = 	snop  }
0x4: {  	_ = 	snop  }
0x5: {  	_ = 	snop  }
0x6: {  	_ = 	snop  }
0x7: {  	_ = 	snop  }
__scs_overlays_trampoline_lowered:
0x8: {  	[smem:$0x3FA5] =	sst s0  }
0x9: {  	[smem:$0x3FA6] =	sst s1  }
0xa: {  	[smem:$0x3FA7] =	sst s2  }
0xb: {  	[smem:$0x3FA8] =	sst s3  }
0xc: {  	[smem:$0x3FA9] =	sst s4  }
0xd: {  	[smem:$0x3FAA] =	sst s5  }
0xe: {  	[smem:$0x3FAB] =	sst s6  }
0xf: {  	[smem:$0x3FAC] =	sst s7  }
0x10: {  	[smem:$0x3FAD] =	sst s8  }
0x11: {  	[smem:$0x3FAE] =	sst s9;
	s0 =	simm.s32 @!p0 $0x0  }
0x12: {  	s1 =	sld [smem:$0x3F94];
	s0 =	simm.s32 @p0 $0x1  }
0x13: {  	[smem:$0x3FAF] =	sst s0;
	s0 =	simm.s32 @!p1 $0x0  }
0x14: {  	s2 =	sld [smem:$0x3F93];
	s0 =	simm.s32 @p1 $0x1  }
0x15: {  	[smem:$0x3FB0] =	sst s0;
	s0 =	simm.s32 @!p2 $0x0  }
0x16: {  	s3 =	sld [smem:$0x3FDB];
	s0 =	simm.s32 @p2 $0x1  }
0x17: {  	s4 =	simm.s32 $0x1BF5;
	[smem:$0x3FB2] =	sst s0  }
0x18: {  	s0 =	sld [smem:$0x3F95];
	_ =	swait.ge [sflag:s4], $0x0  }
0x19: {  	s7 =	sld [smem:$0x3F96]  }
0x1a: {  	s8 =	sadd.s32 $0xFFFFE003, lr  }
0x1b: {  	s9 =	sadd.s32 $0xFFFFFEF7, lr;
	s5 =	simm.s32 $0xFFFFFFFF;
	p2 =	slt.u32 s8, $0xFFFFF086  }
0x1c: {  	p1 =	slt.u32 s9, $0xF7A;
	s5 =	simm.s32 @!p2 $0x0  }
0x1d: {  	s5 =	simm.s32 @p1 $0x1;
	p0 =	seq.s32 s7, s2  }
0x1e: {  	s7 =	smul.u32 @!p0 $0xF7A, s2;
	p2 =	seq.s32 @!p0 s5, $0x0  }
0x1f: {  	s9 =	smul.u32 $0xF7A, s1;
	s8 =	simm.s32 @!p0 $0x1BF5;
	p2 =	por !p2, p0  }
0x20: {  	[sflag:s8] =	ssyncset.s32 @!p0 $0xFFFFF086;
	s6 =	sadd.s32 @!p0 s3, s7;
	s7 =	simm.s32 @!p0 $0x108  }
0x21: {  	s3 =	sadd.s32 s3, s9;
	s6 =	sadd.s32 @!p0 $0x88, s6;
	s7 =	simm.s32 @p2 $0x1082  }
0x22: {  	[simem:s7], [sflag:s8] =	dma.local @!p0 [hbm:s6], $0xF7A  }
0x23: {  	s9 =	sor.u32 $0xD0000000, s2;
	s6 =	simm.s32 $0x108;
	_ =	swait.ge @!p0 [sflag:s8], $0x0  }
0x24: {  	s3 =	sadd.s32 $0x88, s3;
	s6 =	simm.s32 @!p1 $0x1082;
	[sflag:s4] =	ssyncset.s32 $0xFFFFF086  }
0x25: {  	[simem:s6], [sflag:s4] =	dma.local [hbm:s3], $0xF7A  }
0x26: {  	[smem:$0x3F96] =	sst s1;
	(tag) =	ssettag s2;
	_ =	strace s9  }
0x27: {  	s1 =	sld [smem:$0x3FA6]  }
0x28: {  	s2 =	sld [smem:$0x3FA7]  }
0x29: {  	s4 =	sld [smem:$0x3FA9]  }
0x2a: {  	p0 =	seq.s32 s5, $0x0;
	s5 =	sld [smem:$0x3FAA]  }
0x2b: {  	s6 =	sld [smem:$0x3FAB]  }
0x2c: {  	s7 =	sld [smem:$0x3FAC]  }
0x2d: {  	s3 =	simm.s32 $0x108;
	s8 =	sld [smem:$0x3FAD]  }
0x2e: {  	s3 =	simm.s32 @!p0 $0x1082;
	s9 =	sld [smem:$0x3FAE]  }
0x2f: {  	lr =	sadd.s32 s0, s3;
	s0 =	sld [smem:$0x3FA5]  }
0x30: {  	s3 =	sld [smem:$0x3FA8]  }
0x31: {  	[smem:$0x3FB1] =	sst s10  }
0x32: {  	s10 =	sld [smem:$0x3FAF];
	_ =	sdelay $0x3  }
0x33: {  	p0 =	seq.s32 s10, $0x1;
	s10 =	sld [smem:$0x3FB1];
	_ =	sdelay $0x3  }
0x34: {  	[smem:$0x3FB1] =	sst s10  }
0x35: {  	s10 =	sld [smem:$0x3FB0];
	_ =	sdelay $0x3  }
0x36: {  	p1 =	seq.s32 s10, $0x1;
	s10 =	sld [smem:$0x3FB1];
	_ =	sdelay $0x3  }
0x37: {  	[smem:$0x3FB1] =	sst s10  }
0x38: {  	s10 =	sld [smem:$0x3FB2]  }
0x39: {  	_ = 	snop;
	(pc) =	sbr.ind lr, $3  }
0x3a: {  	_ = 	snop  }
0x3b: {  	_ = 	snop  }
0x3c: {  	p2 =	seq.s32 s10, $0x1;
	s10 =	sld [smem:$0x3FB1]  }
0x3d: {  	_ =	shalt  }
0x3e: {  	_ =	shalt  }
0x3f: {  	_ =	shalt  }
0x40: {  	_ =	shalt  }
0x41: {  	_ =	shalt  }
0x42: {  	_ =	shalt  }
0x43: {  	_ =	shalt  }
0x44: {  	_ =	shalt  }
0x45: {  	_ =	shalt  }
0x46: {  	_ =	shalt  }
0x47: {  	_ =	shalt  }
0x48: {  	_ =	shalt  }
0x49: {  	_ =	shalt  }
0x4a: {  	_ =	shalt  }
0x4b: {  	_ =	shalt  }
0x4c: {  	_ =	shalt  }
0x4d: {  	_ =	shalt  }
0x4e: {  	_ =	shalt  }
0x4f: {  	_ =	shalt  }
0x50: {  	_ =	shalt  }
0x51: {  	_ =	shalt  }
0x52: {  	_ =	shalt  }
0x53: {  	_ =	shalt  }
0x54: {  	_ =	shalt  }
0x55: {  	_ =	shalt  }
0x56: {  	_ =	shalt  }
0x57: {  	_ =	shalt  }
0x58: {  	_ =	shalt  }
0x59: {  	_ =	shalt  }
0x5a: {  	_ =	shalt  }
0x5b: {  	_ =	shalt  }
0x5c: {  	_ =	shalt  }
0x5d: {  	_ =	shalt  }
0x5e: {  	_ =	shalt  }
0x5f: {  	_ =	shalt  }
0x60: {  	_ =	shalt  }
0x61: {  	_ =	shalt  }
0x62: {  	_ =	shalt  }
0x63: {  	_ =	shalt  }
0x64: {  	_ =	shalt  }
0x65: {  	_ =	shalt  }
0x66: {  	_ =	shalt  }
0x67: {  	_ =	shalt  }
0x68: {  	_ =	shalt  }
0x69: {  	_ =	shalt  }
0x6a: {  	_ =	shalt  }
0x6b: {  	_ =	shalt  }
0x6c: {  	_ =	shalt  }
0x6d: {  	_ =	shalt  }
0x6e: {  	_ =	shalt  }
0x6f: {  	_ =	shalt  }
0x70: {  	_ =	shalt  }
0x71: {  	_ =	shalt  }
0x72: {  	_ =	shalt  }
0x73: {  	_ =	shalt  }
0x74: {  	_ =	shalt  }
0x75: {  	_ =	shalt  }
0x76: {  	_ =	shalt  }
0x77: {  	_ =	shalt  }
0x78: {  	_ =	shalt  }
0x79: {  	_ =	shalt  }
0x7a: {  	_ =	shalt  }
0x7b: {  	_ =	shalt  }
0x7c: {  	_ =	shalt  }
0x7d: {  	_ =	shalt  }
0x7e: {  	_ =	shalt  }
0x7f: {  	_ =	shalt  }
0x80: {  	_ =	shalt  }
0x81: {  	_ =	shalt  }
0x82: {  	_ =	shalt  }
0x83: {  	_ =	shalt  }
0x84: {  	_ =	shalt  }
0x85: {  	_ =	shalt  }
0x86: {  	_ =	shalt  }
0x87: {  	_ =	shalt  }
.Lfunc_end0:
.L_simem_size_0:
called_computation_lowered:
.L_overlay_start_0:
0x88: {  	s2 =	sld [smem:$0x3FD9]  }
0x89: {  	s3 =	sld [smem:$0x3FFE];
	_ =	sdelay $0x1  }
0x8a: {  	s1 =	srdreg.scid  }
0x8b: {  	s0 =	sand.u32 $0x1, s1  }
0x8c: {  	s16 =	sshll.u32 s0, $0xA;
	s2 =	sadd.s32 s3, s2  }
0x8d: {  	s2 =	sadd.s32 s2, s16  }
0x8e: {  	[smem:$0x3FBD] =	sst s2  }
0x8f: {  	_ = 	snop  }
0x90: {  	(tm) =	ssettm $0x1  }
0x91: {  	s17 =	sld [smem:$0x3FFB];
	_ =	sdelay $0x3  }
0x92: {  	_ =	strace s17  }
0x93: {  	s2 =	sld [smem:$0x3FFC];
	_ =	sdelay $0x3  }
0x94: {  	_ =	strace s2  }
0x95: {  	s2 =	sld [smem:$0x3FFD];
	_ =	sdelay $0x3  }
0x96: {  	_ =	strace s2  }
0x97: {  	_ =	strace $0x8FFFFFFF  }
0x98: {  	s18 =	sld [smem:$0x3FDB];
	_ =	sdelay $0x1  }
0x99: {  	s19 =	simm.s32 $_scs_section_size  }
0x9a: {  	s4 =	simm.s32 $_size__tile_overlayer_lowered;
	s5 =	simm.s32 $_tile_overlayer_lowered  }
0x9b: {  	s22 =	simm.s32 $0x1BFF;
	s21 =	sshll.u32 s5, $0x1;
	s2 =	sadd.s32 s19, s18  }
0x9c: {  	s6 =	simm.s32 $0x0;
	s20 =	sshll.u32 s4, $0x1;
	s4 =	sadd.s32 s21, s2  }
0x9d: {  	[timem:s6], [sflag:s22] =	dma.local [hbm:s4], s20  }
0x9e: {  	_ =	swait.ge [sflag:s22], s20  }
0x9f: {  	s3 =	ssub.s32 $0x0, s20;
	[sflag:s22] =	ssyncset.done $0x0  }
0xa0: {  	[sflag:s22] =	ssyncadd.s32 s3;
	_ =	sdelay $0x1  }
0xa1: {  	s23 =	simm.s32 $0x1B8B  }
0xa2: {  	_ =	swait.ge [sflag:s23], $0x1  }
0xa3: {  	[sflag:s23] =	ssyncset.done $0x0  }
0xa4: {  	s25 =	simm.s32 $0x1B8E;
	s24 =	sld [smem:$0x3FFE];
	[sflag:s23] =	ssyncadd.s32 $0xFFFFFFFF  }
0xa5: {  	s26 =	simm.s32 $execute0_lowered;
	[smem:$0x3FD2] =	sst s25  }
0xa6: {  	s4 =	sshll.u32 s26, $0x1;
	_ =	strace $0x80000046;
	[dreg:$0x1] =	wrdreg $0xFFFFFFFF  }
0xa7: {  	s28 =	simm.s32 $_size_execute0_lowered;
	s2 =	sadd.s32 s2, s4;
	[dreg:$0x0] =	wrdreg $0x0  }
0xa8: {  	s4 =	sshll.u32 s28, $0x1;
	[dreg:$0x2] =	wrdreg s2  }
0xa9: {  	[dreg:$0x3] =	wrdreg s4  }
0xaa: {  	[dreg:$0x4] =	wrdreg $0xC0  }
0xab: {  	_ =	task [dreg:s6], $0x5FFFF  }
0xac: {  	[dreg:$0x1] =	wrdreg $0xFFFFFFFF  }
0xad: {  	[dreg:$0x0] =	wrdreg $0x60  }
0xae: {  	[dreg:$0x2] =	wrdreg s24  }
0xaf: {  	[dreg:$0x3] =	wrdreg $0x30000  }
0xb0: {  	[dreg:$0x4] =	wrdreg $0x9  }
0xb1: {  	_ =	task.clear_ibuf [dreg:s6], $0x5FFFF;
	_ =	strace $0x90000046  }
0xb2: {  	s29 =	simm.s32 $0x9;
	_ =	strace $0x80000048  }
0xb3: {  	_ =	swait.ge [sflag:s29], $0x1  }
0xb4: {  	[sflag:s29] =	ssyncadd.s32 $0xFFFFFFFF  }
0xb5: {  	_ =	strace $0x90000048  }
0xb6: {  	_ =	sfence  }
0xb7: {  	s30 =	sld [smem:$0x0];
	_ =	sdelay $0x2  }
0xb8: {  	s31 =	sshll.u32 s1, $0xD;
	s1 =	sshrl.u32 s1, $0x2  }
0xb9: {  	s3 =	sand.u32 $0x4000, s31;
	s1 =	sadd.s32 s1, s30  }
0xba: {  	s0 =	sor.u32 s3, s0;
	s1 =	sshll.u32 s1, $0x11  }
0xbb: {  	s0 =	sor.u32 s1, s0  }
0xbc: {  	s0 =	sadd.s32 $0x8F2B, s0  }
0xbd: {  	[sflag:s0] =	ssyncadd.remote.s32 $0x1  }
0xbe: {  	_ =	sfence.sel $0xFFFF  }
0xbf: {  	[dreg:$0x0] =	wrdreg $0xFFFFFFFF;
	(pc) =	sbr.abs _section_cstart, $3  }
0xc0: {  	[dreg:$0x1] =	wrdreg $0xFFFFFFFF  }
0xc1: {  	_ =	task.clear_ibuf [dreg:s6], $0x2FFFF;
	_ =	strace $0x9FFFFFFF  }
0xc2: {  	(tm) =	ssettm $0x7FFFFFFF  }
0xc3: {  	_ =	shalt  }
tec
execute0_lowered:
.L_overlay_start_1:
0x0: {  	(tag) =	ssettag $0x1  }
0x1: {  	s5 =	rddreg [dreg:$0x0]  }
0x2: {  	s2 =	rddreg [dreg:$0x1]  }
0x3: {  	s0 =	rddreg [dreg:$0x2];
	s3 =	simm.s32 $0x0;
	s4 =	srdreg.scid  }
0x4: {  	s1 =	stileid.u32;
	s12 =	simm.s32 $0x2800;
	s13 =	simm.s32 $0x80  }
0x5: {  	s14 =	simm.s32 $0x0;
	s6 =	sand.u32 $0x1, s4;
	s29 =	sshll.u32 s1, $0x1  }
0x6: {  	s7 =	smul.u32 $0x2800, s1;
	[smem:$0x7FF] =	sst s3;
	s31 =	sshll.u32 s1, $0x6  }
0x7: {  	s4 =	sor.u32 s6, s29;
	s8 =	smul.u32 $0x28000, s6;
	_ =	strace $0x80000047  }
0x8: {  	s6 =	ssub.s32 $0x2, s6;
	s9 =	smul.u32 $0x500, s4;
	s4 =	sadd.s32 $0xD800, s5  }
0x9: {  	s10 =	sshrl.u32 s6, $0x1;
	s30 =	sshrl.u32 s7, $0x3;
	s8 =	sadd.s32 s7, s8  }
0xa: {  	s11 =	sadd.s32 s7, s2;
	s10 =	ssub.s32 s6, s10;
	s8 =	sshrl.u32 s8, $0x3  }
0xb: {  	s6 =	sor.u32 $0x1C01, s31;
	s9 =	sadd.s32 s9, s5;
	s8 =	sadd.s32 s8, s5  }
0xc: {  	s5 =	sadd.s32 s4, s30;
	s7 =	sadd.s32 $0x3800, s9;
	s9 =	smax.u32 s10, $0x1  }
0xd: {  	s10 =	sshrl.u32 s11, $0x3;
	s11 =	simm.s32 $0x1;
	s8 =	sadd.s32 $0x12800, s8  }
.LBB2_1:
0xe: {  	[spmem:s10], [sflag:s6] =	dma.local [hbm:s5], $0x500  }
0xf: {  	_ =	swait.ge [sflag:s11], $0x500  }
0x10: {  	[sflag:s11] =	ssyncset.done $0x0  }
0x11: {  	[sflag:s11] =	ssyncadd.s32 $0xFFFFFB00  }
0x12: {  	[tilespmem:s12], [sflag:$0x1] =	stream.linear.gather [hbm4b:s4+s3], $0x800, $0x38;
	[tilespmem:$0x5800] =	vst v63  }
0x13: {  	_ =	swait.ge [sflag:s11], $0x800  }
0x14: {  	[sflag:s11] =	ssyncset.done $0x0  }
0x15: {  	[sflag:s11] =	ssyncadd.s32 $0xFFFFF800  }
0x16: {  	[tilespmem:s3], [sflag:$0x1] =	stream.linear.gather [hbm4b:s7+s3], $0x2800, $0x38;
	[tilespmem:$0x5800] =	vst v63  }
0x17: {  	_ =	swait.ge [sflag:s11], $0x2800  }
0x18: {  	[sflag:s11] =	ssyncset.done $0x0  }
0x19: {  	[sflag:s11] =	ssyncadd.s32 $0xFFFFD800  }
0x1a: {  	s15 =	simm.s32 $0x0;
	[bflag:$0x0] =	sbarrier.arrive $0xFFFF  }
0x1b: {  	[spmem:s2] =	stream.indirect.scatter.add.f32 [tilespmem:s12], [sflag:$0x1], $0x10, s15, s13, $0xb8;
	[tilespmem:$0x5800] =	vst v63  }
0x1c: {  	_ =	swait.ge [sflag:s11], $0x800  }
0x1d: {  	s15 =	simm.s32 $0x200;
	[sflag:s11] =	ssyncset.done $0x0  }
.LBB2_2:
0x1e: {  	s16 =	sshra.s32 s15, $0x2;
	[sflag:s11] =	ssyncadd.s32 $0xFFFFF800;
	p0 =	sne.s32 s15, $0x9E00  }
0x1f: {  	[spmem:s2] =	stream.indirect.scatter.add.f32 [tilespmem:s12], [sflag:$0x1], $0x10, s16, s13, $0xb8;
	[tilespmem:$0x5800] =	vst v63  }
.Ltmp0:
0x20: {  	_ = 	snop;
	(pc) =	sbr.rel @p0 .LBB2_2-.Ltmp0, $4  }
0x21: {  	_ = 	snop  }
0x22: {  	s15 =	sadd.s32 $0x200, s15  }
0x23: {  	_ =	swait.ge [sflag:s11], $0x800  }
0x24: {  	[sflag:s11] =	ssyncset.done $0x0  }
0x25: {  	s14 =	sadd.s32 $0x1, s14  }
0x26: {  	[sflag:s11] =	ssyncadd.s32 $0xFFFFF800;
	p0 =	sne.s32 s14, s9  }
.Ltmp1:
0x27: {  	[bflag:$0x0] =	sbarrier.arrive $0xFFFF;
	(pc) =	sbr.rel @p0 .LBB2_1-.Ltmp1, $4  }
0x28: {  	[hbm:s8], [sflag:s6] =	dma.local [spmem:s10], $0x500  }
0x29: {  	_ =	swait.ge [sflag:s11], $0x500  }
0x2a: {  	[sflag:s11] =	ssyncset.done $0x0  }
0x2b: {  	[sflag:s11] =	ssyncadd.s32 $0xFFFFFB00  }
0x2c: {  	_ =	sfence.sel $0x180000  }
0x2d: {  	[bflag:$0x0] =	sbarrier.arrive $0xFFFF  }
0x2e: {  	p0 =	sne.s32 s1, $0x0;
	_ =	strace $0x90000047  }
0x2f: {  	s0 =	sadd.s32 @!p0 $0x100000, s0;
	[bflag:$0x2] =	sbarrier.arrive $0xFFFF  }
0x30: {  	[sflag:s0] =	ssyncadd.tile.s32 @!p0 $0x1;
	_ =	shalt  }
.Lfunc_end2:
_tile_overlayer_lowered:
.L_overlay_start_2:
0x31: {  	(tag) =	ssettag $0x2  }
0x32: {  	s0 =	rddreg [dreg:$0x0];
	s2 =	stileid.u32  }
0x33: {  	s1 =	rddreg [dreg:$0x1];
	p0 =	sne.s32 s2, $0x0  }
0x34: {  	s3 =	rddreg [dreg:$0x2];
	[bflag:$0x3] =	sbarrier.arrive $0xFFFF;
	s2 =	simm.s32 @!p0 $0x1C01  }
0x35: {  	[timem:s3], [sflag:s2] =	dma.local @!p0 [hbm:s0], s1  }
0x36: {  	s0 =	simm.s32 @!p0 $0x1  }
0x37: {  	_ =	swait.ge @!p0 [sflag:s0], s1  }
0x38: {  	s1 =	ssub.s32 @!p0 $0x0, s1;
	[sflag:s0] =	ssyncset.done @!p0 $0x0  }
0x39: {  	[sflag:s0] =	ssyncadd.s32 @!p0 s1  }
0x3a: {  	[bflag:$0x3] =	sbarrier.arrive $0xFFFF  }
0x3b: {  	_ =	shalt  }

// kernel: kernel.13.cloned.1.call-start
scs
__scs_entry_jumppad:
0x0: {  	(pc) =	sbr.rel $0x88, $3  }
0x1: {  	(tag) =	ssettag $0x0;
	lr =	simm.s32 $0x1  }
0x2: {  	[smem:$0x3F96] =	sst lr;
	_ =	strace $0xD0000000  }
0x3: {  	_ = 	snop  }
0x4: {  	_ = 	snop  }
0x5: {  	_ = 	snop  }
0x6: {  	_ = 	snop  }
0x7: {  	_ = 	snop  }
__scs_overlays_trampoline_lowered:
0x8: {  	[smem:$0x3FA5] =	sst s0  }
0x9: {  	[smem:$0x3FA6] =	sst s1  }
0xa: {  	[smem:$0x3FA7] =	sst s2  }
0xb: {  	[smem:$0x3FA8] =	sst s3  }
0xc: {  	[smem:$0x3FA9] =	sst s4  }
0xd: {  	[smem:$0x3FAA] =	sst s5  }
0xe: {  	[smem:$0x3FAB] =	sst s6  }
0xf: {  	[smem:$0x3FAC] =	sst s7  }
0x10: {  	[smem:$0x3FAD] =	sst s8  }
0x11: {  	[smem:$0x3FAE] =	sst s9;
	s0 =	simm.s32 @!p0 $0x0  }
0x12: {  	s1 =	sld [smem:$0x3F94];
	s0 =	simm.s32 @p0 $0x1  }
0x13: {  	[smem:$0x3FAF] =	sst s0;
	s0 =	simm.s32 @!p1 $0x0  }
0x14: {  	s2 =	sld [smem:$0x3F93];
	s0 =	simm.s32 @p1 $0x1  }
0x15: {  	[smem:$0x3FB0] =	sst s0;
	s0 =	simm.s32 @!p2 $0x0  }
0x16: {  	s3 =	sld [smem:$0x3FDB];
	s0 =	simm.s32 @p2 $0x1  }
0x17: {  	s4 =	simm.s32 $0x1BF5;
	[smem:$0x3FB2] =	sst s0  }
0x18: {  	s0 =	sld [smem:$0x3F95];
	_ =	swait.ge [sflag:s4], $0x0  }
0x19: {  	s7 =	sld [smem:$0x3F96]  }
0x1a: {  	s8 =	sadd.s32 $0xFFFFE003, lr  }
0x1b: {  	s9 =	sadd.s32 $0xFFFFFEF7, lr;
	s5 =	simm.s32 $0xFFFFFFFF;
	p2 =	slt.u32 s8, $0xFFFFF086  }
0x1c: {  	p1 =	slt.u32 s9, $0xF7A;
	s5 =	simm.s32 @!p2 $0x0  }
0x1d: {  	s5 =	simm.s32 @p1 $0x1;
	p0 =	seq.s32 s7, s2  }
0x1e: {  	s7 =	smul.u32 @!p0 $0xF7A, s2;
	p2 =	seq.s32 @!p0 s5, $0x0  }
0x1f: {  	s9 =	smul.u32 $0xF7A, s1;
	s8 =	simm.s32 @!p0 $0x1BF5;
	p2 =	por !p2, p0  }
0x20: {  	[sflag:s8] =	ssyncset.s32 @!p0 $0xFFFFF086;
	s6 =	sadd.s32 @!p0 s3, s7;
	s7 =	simm.s32 @!p0 $0x108  }
0x21: {  	s3 =	sadd.s32 s3, s9;
	s6 =	sadd.s32 @!p0 $0x88, s6;
	s7 =	simm.s32 @p2 $0x1082  }
0x22: {  	[simem:s7], [sflag:s8] =	dma.local @!p0 [hbm:s6], $0xF7A  }
0x23: {  	s9 =	sor.u32 $0xD0000000, s2;
	s6 =	simm.s32 $0x108;
	_ =	swait.ge @!p0 [sflag:s8], $0x0  }
0x24: {  	s3 =	sadd.s32 $0x88, s3;
	s6 =	simm.s32 @!p1 $0x1082;
	[sflag:s4] =	ssyncset.s32 $0xFFFFF086  }
0x25: {  	[simem:s6], [sflag:s4] =	dma.local [hbm:s3], $0xF7A  }
0x26: {  	[smem:$0x3F96] =	sst s1;
	(tag) =	ssettag s2;
	_ =	strace s9  }
0x27: {  	s1 =	sld [smem:$0x3FA6]  }
0x28: {  	s2 =	sld [smem:$0x3FA7]  }
0x29: {  	s4 =	sld [smem:$0x3FA9]  }
0x2a: {  	p0 =	seq.s32 s5, $0x0;
	s5 =	sld [smem:$0x3FAA]  }
0x2b: {  	s6 =	sld [smem:$0x3FAB]  }
0x2c: {  	s7 =	sld [smem:$0x3FAC]  }
0x2d: {  	s3 =	simm.s32 $0x108;
	s8 =	sld [smem:$0x3FAD]  }
0x2e: {  	s3 =	simm.s32 @!p0 $0x1082;
	s9 =	sld [smem:$0x3FAE]  }
0x2f: {  	lr =	sadd.s32 s0, s3;
	s0 =	sld [smem:$0x3FA5]  }
0x30: {  	s3 =	sld [smem:$0x3FA8]  }
0x31: {  	[smem:$0x3FB1] =	sst s10  }
0x32: {  	s10 =	sld [smem:$0x3FAF];
	_ =	sdelay $0x3  }
0x33: {  	p0 =	seq.s32 s10, $0x1;
	s10 =	sld [smem:$0x3FB1];
	_ =	sdelay $0x3  }
0x34: {  	[smem:$0x3FB1] =	sst s10  }
0x35: {  	s10 =	sld [smem:$0x3FB0];
	_ =	sdelay $0x3  }
0x36: {  	p1 =	seq.s32 s10, $0x1;
	s10 =	sld [smem:$0x3FB1];
	_ =	sdelay $0x3  }
0x37: {  	[smem:$0x3FB1] =	sst s10  }
0x38: {  	s10 =	sld [smem:$0x3FB2]  }
0x39: {  	_ = 	snop;
	(pc) =	sbr.ind lr, $3  }
0x3a: {  	_ = 	snop  }
0x3b: {  	_ = 	snop  }
0x3c: {  	p2 =	seq.s32 s10, $0x1;
	s10 =	sld [smem:$0x3FB1]  }
0x3d: {  	_ =	shalt  }
0x3e: {  	_ =	shalt  }
0x3f: {  	_ =	shalt  }
0x40: {  	_ =	shalt  }
0x41: {  	_ =	shalt  }
0x42: {  	_ =	shalt  }
0x43: {  	_ =	shalt  }
0x44: {  	_ =	shalt  }
0x45: {  	_ =	shalt  }
0x46: {  	_ =	shalt  }
0x47: {  	_ =	shalt  }
0x48: {  	_ =	shalt  }
0x49: {  	_ =	shalt  }
0x4a: {  	_ =	shalt  }
0x4b: {  	_ =	shalt  }
0x4c: {  	_ =	shalt  }
0x4d: {  	_ =	shalt  }
0x4e: {  	_ =	shalt  }
0x4f: {  	_ =	shalt  }
0x50: {  	_ =	shalt  }
0x51: {  	_ =	shalt  }
0x52: {  	_ =	shalt  }
0x53: {  	_ =	shalt  }
0x54: {  	_ =	shalt  }
0x55: {  	_ =	shalt  }
0x56: {  	_ =	shalt  }
0x57: {  	_ =	shalt  }
0x58: {  	_ =	shalt  }
0x59: {  	_ =	shalt  }
0x5a: {  	_ =	shalt  }
0x5b: {  	_ =	shalt  }
0x5c: {  	_ =	shalt  }
0x5d: {  	_ =	shalt  }
0x5e: {  	_ =	shalt  }
0x5f: {  	_ =	shalt  }
0x60: {  	_ =	shalt  }
0x61: {  	_ =	shalt  }
0x62: {  	_ =	shalt  }
0x63: {  	_ =	shalt  }
0x64: {  	_ =	shalt  }
0x65: {  	_ =	shalt  }
0x66: {  	_ =	shalt  }
0x67: {  	_ =	shalt  }
0x68: {  	_ =	shalt  }
0x69: {  	_ =	shalt  }
0x6a: {  	_ =	shalt  }
0x6b: {  	_ =	shalt  }
0x6c: {  	_ =	shalt  }
0x6d: {  	_ =	shalt  }
0x6e: {  	_ =	shalt  }
0x6f: {  	_ =	shalt  }
0x70: {  	_ =	shalt  }
0x71: {  	_ =	shalt  }
0x72: {  	_ =	shalt  }
0x73: {  	_ =	shalt  }
0x74: {  	_ =	shalt  }
0x75: {  	_ =	shalt  }
0x76: {  	_ =	shalt  }
0x77: {  	_ =	shalt  }
0x78: {  	_ =	shalt  }
0x79: {  	_ =	shalt  }
0x7a: {  	_ =	shalt  }
0x7b: {  	_ =	shalt  }
0x7c: {  	_ =	shalt  }
0x7d: {  	_ =	shalt  }
0x7e: {  	_ =	shalt  }
0x7f: {  	_ =	shalt  }
0x80: {  	_ =	shalt  }
0x81: {  	_ =	shalt  }
0x82: {  	_ =	shalt  }
0x83: {  	_ =	shalt  }
0x84: {  	_ =	shalt  }
0x85: {  	_ =	shalt  }
0x86: {  	_ =	shalt  }
0x87: {  	_ =	shalt  }
.Lfunc_end0:
.L_simem_size_0:
called_computation.1_lowered:
.L_overlay_start_0:
0x88: {  	s2 =	sld [smem:$0x3FD9]  }
0x89: {  	s3 =	sld [smem:$0x3FFE];
	_ =	sdelay $0x1  }
0x8a: {  	s1 =	srdreg.scid  }
0x8b: {  	s0 =	sand.u32 $0x1, s1  }
0x8c: {  	s16 =	sshll.u32 s0, $0xA;
	s2 =	sadd.s32 s3, s2  }
0x8d: {  	s2 =	sadd.s32 s2, s16  }
0x8e: {  	[smem:$0x3FBD] =	sst s2  }
0x8f: {  	_ = 	snop  }
0x90: {  	(tm) =	ssettm $0x1  }
0x91: {  	s17 =	sld [smem:$0x3FFB];
	_ =	sdelay $0x3  }
0x92: {  	_ =	strace s17  }
0x93: {  	s2 =	sld [smem:$0x3FFC];
	_ =	sdelay $0x3  }
0x94: {  	_ =	strace s2  }
0x95: {  	s2 =	sld [smem:$0x3FFD];
	_ =	sdelay $0x3  }
0x96: {  	_ =	strace s2  }
0x97: {  	_ =	strace $0x8FFFFFFF  }
0x98: {  	s18 =	sld [smem:$0x3FDB];
	_ =	sdelay $0x1  }
0x99: {  	s19 =	simm.s32 $_scs_section_size  }
0x9a: {  	s4 =	simm.s32 $_size__tile_overlayer_lowered;
	s5 =	simm.s32 $_tile_overlayer_lowered  }
0x9b: {  	s22 =	simm.s32 $0x1BFF;
	s21 =	sshll.u32 s5, $0x1;
	s2 =	sadd.s32 s19, s18  }
0x9c: {  	s6 =	simm.s32 $0x0;
	s20 =	sshll.u32 s4, $0x1;
	s4 =	sadd.s32 s21, s2  }
0x9d: {  	[timem:s6], [sflag:s22] =	dma.local [hbm:s4], s20  }
0x9e: {  	_ =	swait.ge [sflag:s22], s20  }
0x9f: {  	s3 =	ssub.s32 $0x0, s20;
	[sflag:s22] =	ssyncset.done $0x0  }
0xa0: {  	[sflag:s22] =	ssyncadd.s32 s3;
	_ =	sdelay $0x1  }
0xa1: {  	s23 =	simm.s32 $0x1B8B  }
0xa2: {  	_ =	swait.ge [sflag:s23], $0x1  }
0xa3: {  	[sflag:s23] =	ssyncset.done $0x0  }
0xa4: {  	s25 =	simm.s32 $0x1B8E;
	s24 =	sld [smem:$0x3FFE];
	[sflag:s23] =	ssyncadd.s32 $0xFFFFFFFF  }
0xa5: {  	s26 =	simm.s32 $execute0_lowered;
	[smem:$0x3FD2] =	sst s25  }
0xa6: {  	s4 =	sshll.u32 s26, $0x1;
	_ =	strace $0x80000049;
	[dreg:$0x1] =	wrdreg $0xFFFFFFFF  }
0xa7: {  	s28 =	simm.s32 $_size_execute0_lowered;
	s2 =	sadd.s32 s2, s4;
	[dreg:$0x0] =	wrdreg $0x0  }
0xa8: {  	s4 =	sshll.u32 s28, $0x1;
	[dreg:$0x2] =	wrdreg s2  }
0xa9: {  	[dreg:$0x3] =	wrdreg s4  }
0xaa: {  	[dreg:$0x4] =	wrdreg $0xC0  }
0xab: {  	_ =	task [dreg:s6], $0x5FFFF  }
0xac: {  	[dreg:$0x1] =	wrdreg $0xFFFFFFFF  }
0xad: {  	[dreg:$0x0] =	wrdreg $0x60  }
0xae: {  	[dreg:$0x2] =	wrdreg s24  }
0xaf: {  	[dreg:$0x3] =	wrdreg $0x90000  }
0xb0: {  	[dreg:$0x4] =	wrdreg $0x9  }
0xb1: {  	_ =	task.clear_ibuf [dreg:s6], $0x5FFFF;
	_ =	strace $0x90000049  }
0xb2: {  	s29 =	simm.s32 $0x9;
	_ =	strace $0x8000004B  }
0xb3: {  	_ =	swait.ge [sflag:s29], $0x1  }
0xb4: {  	[sflag:s29] =	ssyncadd.s32 $0xFFFFFFFF  }
0xb5: {  	_ =	strace $0x9000004B  }
0xb6: {  	_ =	sfence  }
0xb7: {  	s30 =	sld [smem:$0x0];
	_ =	sdelay $0x2  }
0xb8: {  	s31 =	sshll.u32 s1, $0xD;
	s1 =	sshrl.u32 s1, $0x2  }
0xb9: {  	s3 =	sand.u32 $0x4000, s31;
	s1 =	sadd.s32 s1, s30  }
0xba: {  	s0 =	sor.u32 s3, s0;
	s1 =	sshll.u32 s1, $0x11  }
0xbb: {  	s0 =	sor.u32 s1, s0  }
0xbc: {  	s0 =	sadd.s32 $0x8F2B, s0  }
0xbd: {  	[sflag:s0] =	ssyncadd.remote.s32 $0x1  }
0xbe: {  	_ =	sfence.sel $0xFFFF  }
0xbf: {  	[dreg:$0x0] =	wrdreg $0xFFFFFFFF;
	(pc) =	sbr.abs _section_cstart, $3  }
0xc0: {  	[dreg:$0x1] =	wrdreg $0xFFFFFFFF  }
0xc1: {  	_ =	task.clear_ibuf [dreg:s6], $0x2FFFF;
	_ =	strace $0x9FFFFFFF  }
0xc2: {  	(tm) =	ssettm $0x7FFFFFFF  }
0xc3: {  	_ =	shalt  }
tec
execute0_lowered:
.L_overlay_start_1:
0x0: {  	(tag) =	ssettag $0x1  }
0x1: {  	s5 =	rddreg [dreg:$0x0]  }
0x2: {  	s2 =	rddreg [dreg:$0x1]  }
0x3: {  	s0 =	rddreg [dreg:$0x2];
	s4 =	srdreg.scid  }
0x4: {  	s1 =	stileid.u32;
	s3 =	simm.s32 $0x0;
	s14 =	simm.s32 $0x80  }
0x5: {  	s15 =	simm.s32 $0x5000;
	s16 =	simm.s32 $0x7000;
	s17 =	simm.s32 $0x1  }
0x6: {  	s18 =	simm.s32 $0x2;
	s19 =	simm.s32 $0x2780;
	s20 =	simm.s32 $0x4F00  }
0x7: {  	s21 =	simm.s32 $0x4F80;
	s22 =	simm.s32 $0x0;
	s4 =	sand.u32 $0x1, s4  }
0x8: {  	s6 =	smul.u32 $0xA000, s1;
	[smem:$0x7FF] =	sst s3;
	s7 =	sshll.u32 s1, $0x1  }
0x9: {  	s31 =	sshll.u32 s1, $0x6;
	s8 =	smul.u32 $0xA0000, s4;
	_ =	strace $0x8000004A  }
0xa: {  	s7 =	sor.u32 s4, s7;
	s9 =	ssub.s32 $0x2, s4;
	s4 =	sadd.s32 $0x4E800, s5  }
0xb: {  	s7 =	smul.u32 $0x500, s7;
	s10 =	sshrl.u32 s9, $0x1;
	s13 =	sadd.s32 s6, s2  }
0xc: {  	s30 =	sshrl.u32 s6, $0x3;
	s8 =	sadd.s32 s6, s8;
	s10 =	ssub.s32 s9, s10  }
0xd: {  	s6 =	sor.u32 $0x1C03, s31;
	s8 =	sshrl.u32 s8, $0x3;
	s11 =	sadd.s32 s7, s5  }
0xe: {  	s10 =	smax.u32 s10, $0x1;
	s12 =	sadd.s32 s8, s5;
	s5 =	sadd.s32 s4, s30  }
0xf: {  	s7 =	sadd.s32 $0x44800, s11;
	s8 =	sadd.s32 $0x3800, s11;
	s11 =	sshrl.u32 s13, $0x3  }
0x10: {  	s13 =	simm.s32 $0x2800;
	s9 =	sadd.s32 $0x62800, s12;
	s12 =	simm.s32 $0x3  }
.LBB2_1:
0x11: {  	[spmem:s11], [sflag:s6] =	dma.local [hbm:s5], $0x1400  }
0x12: {  	_ =	swait.ge [sflag:s12], $0x1400  }
0x13: {  	[sflag:s12] =	ssyncset.done $0x0  }
0x14: {  	[sflag:s12] =	ssyncadd.s32 $0xFFFFEC00  }
0x15: {  	[tilespmem:s3], [sflag:$0x3] =	stream.linear.gather [hbm4b:s7+s3], $0x2800, $0x38;
	[tilespmem:$0x13000] =	vst v63  }
0x16: {  	_ =	swait.ge [sflag:s12], $0x2800  }
0x17: {  	[sflag:s12] =	ssyncset.done $0x0  }
0x18: {  	[sflag:s12] =	ssyncadd.s32 $0xFFFFD800  }
0x19: {  	[tilespmem:s13], [sflag:$0x3] =	stream.linear.gather [hbm4b:s8+s3], $0x2800, $0x38;
	[tilespmem:$0x13000] =	vst v63  }
0x1a: {  	_ =	swait.ge [sflag:s12], $0x2800  }
0x1b: {  	[sflag:s12] =	ssyncset.done $0x0  }
0x1c: {  	[sflag:s12] =	ssyncadd.s32 $0xFFFFD800  }
0x1d: {  	[bflag:$0x0] =	sbarrier.arrive $0xFFFF  }
0x1e: {  	[tilespmem:s15], [sflag:$0x1] =	stream.indirect.gather [hbm4b:s4+s14], $0x40, s3, s14, $0xb8;
	[tilespmem:$0x13000] =	vst v63  }
0x1f: {  	s23 =	simm.s32 $0x80  }
0x20: {  	[tilespmem:s16], [sflag:$0x2] =	stream.indirect.gather [hbm4b:s4+s14], $0x40, s23, s14, $0xb8;
	[tilespmem:$0x13000] =	vst v63  }
0x21: {  	_ =	swait.ge [sflag:s17], $0x2000  }
0x22: {  	[sflag:s17] =	ssyncset.done $0x0  }
0x23: {  	s29 =	simm.s32 $0x2800;
	[sflag:s17] =	ssyncadd.s32 $0xFFFFE000  }
0x24: {  	[spmem:s2] =	stream.indirect.scatter.add.f32 [tilespmem:s15], [sflag:$0x3], $0x40, s29, s14, $0xb8;
	[tilespmem:$0x13000] =	vst v63  }
0x25: {  	_ =	swait.ge [sflag:s12], $0x2000  }
0x26: {  	[sflag:s12] =	ssyncset.done $0x0  }
0x27: {  	s30 =	simm.s32 $0x100;
	[sflag:s12] =	ssyncadd.s32 $0xFFFFE000  }
0x28: {  	[tilespmem:s15], [sflag:$0x1] =	stream.indirect.gather [hbm4b:s4+s14], $0x40, s30, s14, $0xb8;
	[tilespmem:$0x13000] =	vst v63  }
0x29: {  	_ =	swait.ge [sflag:s18], $0x2000  }
0x2a: {  	[sflag:s18] =	ssyncset.done $0x0  }
0x2b: {  	s31 =	simm.s32 $0x2880;
	[sflag:s18] =	ssyncadd.s32 $0xFFFFE000  }
0x2c: {  	[spmem:s2] =	stream.indirect.scatter.add.f32 [tilespmem:s16], [sflag:$0x3], $0x40, s31, s14, $0xb8;
	[tilespmem:$0x13000] =	vst v63  }
0x2d: {  	_ =	swait.ge [sflag:s12], $0x2000  }
0x2e: {  	s24 =	simm.s32 $0x800;
	s23 =	simm.s32 $0x100;
	[sflag:s12] =	ssyncset.done $0x0  }
.LBB2_2:
0x2f: {  	s25 =	sadd.s32 $0x80, s23  }
0x30: {  	[sflag:s12] =	ssyncadd.s32 $0xFFFFE000;
	s26 =	smov.u32 s24;
	s28 =	sadd.s32 $0x400, s24  }
0x31: {  	[tilespmem:s16], [sflag:$0x2] =	stream.indirect.gather [hbm4b:s4+s14], $0x40, s25, s14, $0xb8;
	[tilespmem:$0x13000] =	vst v63  }
0x32: {  	p0 =	sne.s32 s24, $0x9800;
	_ =	swait.ge [sflag:s17], $0x2000  }
0x33: {  	[sflag:s17] =	ssyncset.done $0x0  }
0x34: {  	s24 =	sadd.s32 $0x2800, s23;
	[sflag:s17] =	ssyncadd.s32 $0xFFFFE000  }
0x35: {  	[spmem:s2] =	stream.indirect.scatter.add.f32 [tilespmem:s15], [sflag:$0x3], $0x40, s24, s14, $0xb8;
	[tilespmem:$0x13000] =	vst v63  }
0x36: {  	_ =	swait.ge [sflag:s12], $0x2000  }
0x37: {  	[sflag:s12] =	ssyncset.done $0x0  }
0x38: {  	s24 =	sadd.s32 $0x100, s23;
	[sflag:s12] =	ssyncadd.s32 $0xFFFFE000  }
0x39: {  	[tilespmem:s15], [sflag:$0x1] =	stream.indirect.gather [hbm4b:s4+s14], $0x40, s24, s14, $0xb8;
	[tilespmem:$0x13000] =	vst v63  }
0x3a: {  	_ =	swait.ge [sflag:s18], $0x2000  }
.Ltmp0:
0x3b: {  	[sflag:s18] =	ssyncset.done $0x0;
	(pc) =	sbr.rel @p0 .LBB2_2-.Ltmp0, $4  }
0x3c: {  	s23 =	sadd.s32 $0x2880, s23;
	[sflag:s18] =	ssyncadd.s32 $0xFFFFE000  }
0x3d: {  	[spmem:s2] =	stream.indirect.scatter.add.f32 [tilespmem:s16], [sflag:$0x3], $0x40, s23, s14, $0xb8;
	[tilespmem:$0x13000] =	vst v63  }
0x3e: {  	_ =	swait.ge [sflag:s12], $0x2000  }
0x3f: {  	s24 =	smov.u32 s28;
	s23 =	sshra.s32 s26, $0x2;
	[sflag:s12] =	ssyncset.done $0x0  }
0x40: {  	s24 =	sadd.s32 $0x80, s23;
	[sflag:s12] =	ssyncadd.s32 $0xFFFFE000  }
0x41: {  	[tilespmem:s16], [sflag:$0x2] =	stream.indirect.gather [hbm4b:s4+s14], $0x40, s24, s14, $0xb8;
	[tilespmem:$0x13000] =	vst v63  }
0x42: {  	_ =	swait.ge [sflag:s17], $0x2000  }
0x43: {  	[sflag:s17] =	ssyncset.done $0x0  }
0x44: {  	s29 =	sadd.s32 $0x2800, s23;
	[sflag:s17] =	ssyncadd.s32 $0xFFFFE000  }
0x45: {  	[spmem:s2] =	stream.indirect.scatter.add.f32 [tilespmem:s15], [sflag:$0x3], $0x40, s29, s14, $0xb8;
	[tilespmem:$0x13000] =	vst v63  }
0x46: {  	_ =	swait.ge [sflag:s12], $0x2000  }
0x47: {  	[sflag:s12] =	ssyncset.done $0x0  }
0x48: {  	s30 =	sadd.s32 $0x100, s23;
	[sflag:s12] =	ssyncadd.s32 $0xFFFFE000  }
0x49: {  	[tilespmem:s15], [sflag:$0x1] =	stream.indirect.gather [hbm4b:s4+s14], $0x40, s30, s14, $0xb8;
	[tilespmem:$0x13000] =	vst v63  }
0x4a: {  	_ =	swait.ge [sflag:s18], $0x2000  }
0x4b: {  	[sflag:s18] =	ssyncset.done $0x0  }
0x4c: {  	s31 =	sadd.s32 $0x2880, s23;
	[sflag:s18] =	ssyncadd.s32 $0xFFFFE000  }
0x4d: {  	[spmem:s2] =	stream.indirect.scatter.add.f32 [tilespmem:s16], [sflag:$0x3], $0x40, s31, s14, $0xb8;
	[tilespmem:$0x13000] =	vst v63  }
0x4e: {  	_ =	swait.ge [sflag:s12], $0x2000  }
0x4f: {  	[sflag:s12] =	ssyncset.done $0x0  }
0x50: {  	[sflag:s12] =	ssyncadd.s32 $0xFFFFE000  }
0x51: {  	[tilespmem:s16], [sflag:$0x2] =	stream.indirect.gather [hbm4b:s4+s14], $0x40, s19, s14, $0xb8;
	[tilespmem:$0x13000] =	vst v63  }
0x52: {  	_ =	swait.ge [sflag:s17], $0x2000  }
0x53: {  	[sflag:s17] =	ssyncset.done $0x0  }
0x54: {  	[sflag:s17] =	ssyncadd.s32 $0xFFFFE000  }
0x55: {  	[spmem:s2] =	stream.indirect.scatter.add.f32 [tilespmem:s15], [sflag:$0x3], $0x40, s20, s14, $0xb8;
	[tilespmem:$0x13000] =	vst v63  }
0x56: {  	_ =	swait.ge [sflag:s12], $0x2000  }
0x57: {  	[sflag:s12] =	ssyncset.done $0x0  }
0x58: {  	[sflag:s12] =	ssyncadd.s32 $0xFFFFE000  }
0x59: {  	_ =	swait.ge [sflag:s18], $0x2000  }
0x5a: {  	[sflag:s18] =	ssyncset.done $0x0  }
0x5b: {  	[sflag:s18] =	ssyncadd.s32 $0xFFFFE000  }
0x5c: {  	[spmem:s2] =	stream.indirect.scatter.add.f32 [tilespmem:s16], [sflag:$0x3], $0x40, s21, s14, $0xb8;
	[tilespmem:$0x13000] =	vst v63  }
0x5d: {  	_ =	swait.ge [sflag:s12], $0x2000  }
0x5e: {  	s22 =	sadd.s32 $0x1, s22;
	[sflag:s12] =	ssyncset.done $0x0  }
0x5f: {  	p0 =	sne.s32 s22, s10;
	[sflag:s12] =	ssyncadd.s32 $0xFFFFE000  }
.Ltmp1:
0x60: {  	[bflag:$0x0] =	sbarrier.arrive $0xFFFF;
	(pc) =	sbr.rel @p0 .LBB2_1-.Ltmp1, $4  }
0x61: {  	[hbm:s9], [sflag:s6] =	dma.local [spmem:s11], $0x1400  }
0x62: {  	_ =	swait.ge [sflag:s12], $0x1400  }
0x63: {  	[sflag:s12] =	ssyncset.done $0x0  }
0x64: {  	[sflag:s12] =	ssyncadd.s32 $0xFFFFEC00  }
0x65: {  	_ =	sfence.sel $0x180000  }
0x66: {  	[bflag:$0x0] =	sbarrier.arrive $0xFFFF  }
0x67: {  	p0 =	sne.s32 s1, $0x0;
	_ =	strace $0x9000004A  }
0x68: {  	s0 =	sadd.s32 @!p0 $0x100000, s0;
	[bflag:$0x2] =	sbarrier.arrive $0xFFFF  }
0x69: {  	[sflag:s0] =	ssyncadd.tile.s32 @!p0 $0x1;
	_ =	shalt  }
.Lfunc_end2:
_tile_overlayer_lowered:
.L_overlay_start_2:
0x6a: {  	(tag) =	ssettag $0x2  }
0x6b: {  	s0 =	rddreg [dreg:$0x0];
	s2 =	stileid.u32  }
0x6c: {  	s1 =	rddreg [dreg:$0x1];
	p0 =	sne.s32 s2, $0x0  }
0x6d: {  	s3 =	rddreg [dreg:$0x2];
	[bflag:$0x3] =	sbarrier.arrive $0xFFFF;
	s2 =	simm.s32 @!p0 $0x1C03  }
0x6e: {  	[timem:s3], [sflag:s2] =	dma.local @!p0 [hbm:s0], s1  }
0x6f: {  	s0 =	simm.s32 @!p0 $0x3  }
0x70: {  	_ =	swait.ge @!p0 [sflag:s0], s1  }
0x71: {  	s1 =	ssub.s32 @!p0 $0x0, s1;
	[sflag:s0] =	ssyncset.done @!p0 $0x0  }
0x72: {  	[sflag:s0] =	ssyncadd.s32 @!p0 s1  }
0x73: {  	[bflag:$0x3] =	sbarrier.arrive $0xFFFF  }
0x74: {  	_ =	shalt  }

// kernel: kernel.16.cloned.1.call-start
scs
__scs_entry_jumppad:
0x0: {  	(pc) =	sbr.rel $0x88, $3  }
0x1: {  	(tag) =	ssettag $0x0;
	lr =	simm.s32 $0x1  }
0x2: {  	[smem:$0x3F96] =	sst lr;
	_ =	strace $0xD0000000  }
0x3: {  	_ = 	snop  }
0x4: {  	_ = 	snop  }
0x5: {  	_ = 	snop  }
0x6: {  	_ = 	snop  }
0x7: {  	_ = 	snop  }
__scs_overlays_trampoline_lowered:
0x8: {  	[smem:$0x3FA5] =	sst s0  }
0x9: {  	[smem:$0x3FA6] =	sst s1  }
0xa: {  	[smem:$0x3FA7] =	sst s2  }
0xb: {  	[smem:$0x3FA8] =	sst s3  }
0xc: {  	[smem:$0x3FA9] =	sst s4  }
0xd: {  	[smem:$0x3FAA] =	sst s5  }
0xe: {  	[smem:$0x3FAB] =	sst s6  }
0xf: {  	[smem:$0x3FAC] =	sst s7  }
0x10: {  	[smem:$0x3FAD] =	sst s8  }
0x11: {  	[smem:$0x3FAE] =	sst s9;
	s0 =	simm.s32 @!p0 $0x0  }
0x12: {  	s1 =	sld [smem:$0x3F94];
	s0 =	simm.s32 @p0 $0x1  }
0x13: {  	[smem:$0x3FAF] =	sst s0;
	s0 =	simm.s32 @!p1 $0x0  }
0x14: {  	s2 =	sld [smem:$0x3F93];
	s0 =	simm.s32 @p1 $0x1  }
0x15: {  	[smem:$0x3FB0] =	sst s0;
	s0 =	simm.s32 @!p2 $0x0  }
0x16: {  	s3 =	sld [smem:$0x3FDB];
	s0 =	simm.s32 @p2 $0x1  }
0x17: {  	s4 =	simm.s32 $0x1BF5;
	[smem:$0x3FB2] =	sst s0  }
0x18: {  	s0 =	sld [smem:$0x3F95];
	_ =	swait.ge [sflag:s4], $0x0  }
0x19: {  	s7 =	sld [smem:$0x3F96]  }
0x1a: {  	s8 =	sadd.s32 $0xFFFFE003, lr  }
0x1b: {  	s9 =	sadd.s32 $0xFFFFFEF7, lr;
	s5 =	simm.s32 $0xFFFFFFFF;
	p2 =	slt.u32 s8, $0xFFFFF086  }
0x1c: {  	p1 =	slt.u32 s9, $0xF7A;
	s5 =	simm.s32 @!p2 $0x0  }
0x1d: {  	s5 =	simm.s32 @p1 $0x1;
	p0 =	seq.s32 s7, s2  }
0x1e: {  	s7 =	smul.u32 @!p0 $0xF7A, s2;
	p2 =	seq.s32 @!p0 s5, $0x0  }
0x1f: {  	s9 =	smul.u32 $0xF7A, s1;
	s8 =	simm.s32 @!p0 $0x1BF5;
	p2 =	por !p2, p0  }
0x20: {  	[sflag:s8] =	ssyncset.s32 @!p0 $0xFFFFF086;
	s6 =	sadd.s32 @!p0 s3, s7;
	s7 =	simm.s32 @!p0 $0x108  }
0x21: {  	s3 =	sadd.s32 s3, s9;
	s6 =	sadd.s32 @!p0 $0x88, s6;
	s7 =	simm.s32 @p2 $0x1082  }
0x22: {  	[simem:s7], [sflag:s8] =	dma.local @!p0 [hbm:s6], $0xF7A  }
0x23: {  	s9 =	sor.u32 $0xD0000000, s2;
	s6 =	simm.s32 $0x108;
	_ =	swait.ge @!p0 [sflag:s8], $0x0  }
0x24: {  	s3 =	sadd.s32 $0x88, s3;
	s6 =	simm.s32 @!p1 $0x1082;
	[sflag:s4] =	ssyncset.s32 $0xFFFFF086  }
0x25: {  	[simem:s6], [sflag:s4] =	dma.local [hbm:s3], $0xF7A  }
0x26: {  	[smem:$0x3F96] =	sst s1;
	(tag) =	ssettag s2;
	_ =	strace s9  }
0x27: {  	s1 =	sld [smem:$0x3FA6]  }
0x28: {  	s2 =	sld [smem:$0x3FA7]  }
0x29: {  	s4 =	sld [smem:$0x3FA9]  }
0x2a: {  	p0 =	seq.s32 s5, $0x0;
	s5 =	sld [smem:$0x3FAA]  }
0x2b: {  	s6 =	sld [smem:$0x3FAB]  }
0x2c: {  	s7 =	sld [smem:$0x3FAC]  }
0x2d: {  	s3 =	simm.s32 $0x108;
	s8 =	sld [smem:$0x3FAD]  }
0x2e: {  	s3 =	simm.s32 @!p0 $0x1082;
	s9 =	sld [smem:$0x3FAE]  }
0x2f: {  	lr =	sadd.s32 s0, s3;
	s0 =	sld [smem:$0x3FA5]  }
0x30: {  	s3 =	sld [smem:$0x3FA8]  }
0x31: {  	[smem:$0x3FB1] =	sst s10  }
0x32: {  	s10 =	sld [smem:$0x3FAF];
	_ =	sdelay $0x3  }
0x33: {  	p0 =	seq.s32 s10, $0x1;
	s10 =	sld [smem:$0x3FB1];
	_ =	sdelay $0x3  }
0x34: {  	[smem:$0x3FB1] =	sst s10  }
0x35: {  	s10 =	sld [smem:$0x3FB0];
	_ =	sdelay $0x3  }
0x36: {  	p1 =	seq.s32 s10, $0x1;
	s10 =	sld [smem:$0x3FB1];
	_ =	sdelay $0x3  }
0x37: {  	[smem:$0x3FB1] =	sst s10  }
0x38: {  	s10 =	sld [smem:$0x3FB2]  }
0x39: {  	_ = 	snop;
	(pc) =	sbr.ind lr, $3  }
0x3a: {  	_ = 	snop  }
0x3b: {  	_ = 	snop  }
0x3c: {  	p2 =	seq.s32 s10, $0x1;
	s10 =	sld [smem:$0x3FB1]  }
0x3d: {  	_ =	shalt  }
0x3e: {  	_ =	shalt  }
0x3f: {  	_ =	shalt  }
0x40: {  	_ =	shalt  }
0x41: {  	_ =	shalt  }
0x42: {  	_ =	shalt  }
0x43: {  	_ =	shalt  }
0x44: {  	_ =	shalt  }
0x45: {  	_ =	shalt  }
0x46: {  	_ =	shalt  }
0x47: {  	_ =	shalt  }
0x48: {  	_ =	shalt  }
0x49: {  	_ =	shalt  }
0x4a: {  	_ =	shalt  }
0x4b: {  	_ =	shalt  }
0x4c: {  	_ =	shalt  }
0x4d: {  	_ =	shalt  }
0x4e: {  	_ =	shalt  }
0x4f: {  	_ =	shalt  }
0x50: {  	_ =	shalt  }
0x51: {  	_ =	shalt  }
0x52: {  	_ =	shalt  }
0x53: {  	_ =	shalt  }
0x54: {  	_ =	shalt  }
0x55: {  	_ =	shalt  }
0x56: {  	_ =	shalt  }
0x57: {  	_ =	shalt  }
0x58: {  	_ =	shalt  }
0x59: {  	_ =	shalt  }
0x5a: {  	_ =	shalt  }
0x5b: {  	_ =	shalt  }
0x5c: {  	_ =	shalt  }
0x5d: {  	_ =	shalt  }
0x5e: {  	_ =	shalt  }
0x5f: {  	_ =	shalt  }
0x60: {  	_ =	shalt  }
0x61: {  	_ =	shalt  }
0x62: {  	_ =	shalt  }
0x63: {  	_ =	shalt  }
0x64: {  	_ =	shalt  }
0x65: {  	_ =	shalt  }
0x66: {  	_ =	shalt  }
0x67: {  	_ =	shalt  }
0x68: {  	_ =	shalt  }
0x69: {  	_ =	shalt  }
0x6a: {  	_ =	shalt  }
0x6b: {  	_ =	shalt  }
0x6c: {  	_ =	shalt  }
0x6d: {  	_ =	shalt  }
0x6e: {  	_ =	shalt  }
0x6f: {  	_ =	shalt  }
0x70: {  	_ =	shalt  }
0x71: {  	_ =	shalt  }
0x72: {  	_ =	shalt  }
0x73: {  	_ =	shalt  }
0x74: {  	_ =	shalt  }
0x75: {  	_ =	shalt  }
0x76: {  	_ =	shalt  }
0x77: {  	_ =	shalt  }
0x78: {  	_ =	shalt  }
0x79: {  	_ =	shalt  }
0x7a: {  	_ =	shalt  }
0x7b: {  	_ =	shalt  }
0x7c: {  	_ =	shalt  }
0x7d: {  	_ =	shalt  }
0x7e: {  	_ =	shalt  }
0x7f: {  	_ =	shalt  }
0x80: {  	_ =	shalt  }
0x81: {  	_ =	shalt  }
0x82: {  	_ =	shalt  }
0x83: {  	_ =	shalt  }
0x84: {  	_ =	shalt  }
0x85: {  	_ =	shalt  }
0x86: {  	_ =	shalt  }
0x87: {  	_ =	shalt  }
.Lfunc_end0:
.L_simem_size_0:
called_computation.2_lowered:
.L_overlay_start_0:
0x88: {  	s2 =	sld [smem:$0x3FD9]  }
0x89: {  	s3 =	sld [smem:$0x3FFE];
	_ =	sdelay $0x1  }
0x8a: {  	s1 =	srdreg.scid  }
0x8b: {  	s0 =	sand.u32 $0x1, s1  }
0x8c: {  	s16 =	sshll.u32 s0, $0xA;
	s2 =	sadd.s32 s3, s2  }
0x8d: {  	s2 =	sadd.s32 s2, s16  }
0x8e: {  	[smem:$0x3FBD] =	sst s2  }
0x8f: {  	_ = 	snop  }
0x90: {  	(tm) =	ssettm $0x1  }
0x91: {  	s17 =	sld [smem:$0x3FFB];
	_ =	sdelay $0x3  }
0x92: {  	_ =	strace s17  }
0x93: {  	s2 =	sld [smem:$0x3FFC];
	_ =	sdelay $0x3  }
0x94: {  	_ =	strace s2  }
0x95: {  	s2 =	sld [smem:$0x3FFD];
	_ =	sdelay $0x3  }
0x96: {  	_ =	strace s2  }
0x97: {  	_ =	strace $0x8FFFFFFF  }
0x98: {  	s18 =	sld [smem:$0x3FDB];
	_ =	sdelay $0x1  }
0x99: {  	s19 =	simm.s32 $_scs_section_size  }
0x9a: {  	s4 =	simm.s32 $_size__tile_overlayer_lowered;
	s5 =	simm.s32 $_tile_overlayer_lowered  }
0x9b: {  	s22 =	simm.s32 $0x1BFF;
	s21 =	sshll.u32 s5, $0x1;
	s2 =	sadd.s32 s19, s18  }
0x9c: {  	s6 =	simm.s32 $0x0;
	s20 =	sshll.u32 s4, $0x1;
	s4 =	sadd.s32 s21, s2  }
0x9d: {  	[timem:s6], [sflag:s22] =	dma.local [hbm:s4], s20  }
0x9e: {  	_ =	swait.ge [sflag:s22], s20  }
0x9f: {  	s3 =	ssub.s32 $0x0, s20;
	[sflag:s22] =	ssyncset.done $0x0  }
0xa0: {  	[sflag:s22] =	ssyncadd.s32 s3;
	_ =	sdelay $0x1  }
0xa1: {  	s23 =	simm.s32 $0x1B8B  }
0xa2: {  	_ =	swait.ge [sflag:s23], $0x1  }
0xa3: {  	[sflag:s23] =	ssyncset.done $0x0  }
0xa4: {  	s25 =	simm.s32 $0x1B8E;
	s24 =	sld [smem:$0x3FFE];
	[sflag:s23] =	ssyncadd.s32 $0xFFFFFFFF  }
0xa5: {  	s26 =	simm.s32 $execute0_lowered;
	[smem:$0x3FD2] =	sst s25  }
0xa6: {  	s4 =	sshll.u32 s26, $0x1;
	_ =	strace $0x8000004C;
	[dreg:$0x1] =	wrdreg $0xFFFFFFFF  }
0xa7: {  	s28 =	simm.s32 $_size_execute0_lowered;
	s2 =	sadd.s32 s2, s4;
	[dreg:$0x0] =	wrdreg $0x0  }
0xa8: {  	s4 =	sshll.u32 s28, $0x1;
	[dreg:$0x2] =	wrdreg s2  }
0xa9: {  	[dreg:$0x3] =	wrdreg s4  }
0xaa: {  	[dreg:$0x4] =	wrdreg $0xC0  }
0xab: {  	_ =	task [dreg:s6], $0x5FFFF  }
0xac: {  	[dreg:$0x1] =	wrdreg $0xFFFFFFFF  }
0xad: {  	[dreg:$0x0] =	wrdreg $0x60  }
0xae: {  	[dreg:$0x2] =	wrdreg s24  }
0xaf: {  	[dreg:$0x3] =	wrdreg $0x90000  }
0xb0: {  	[dreg:$0x4] =	wrdreg $0x9  }
0xb1: {  	_ =	task.clear_ibuf [dreg:s6], $0x5FFFF;
	_ =	strace $0x9000004C  }
0xb2: {  	s29 =	simm.s32 $0x9;
	_ =	strace $0x8000004E  }
0xb3: {  	_ =	swait.ge [sflag:s29], $0x1  }
0xb4: {  	[sflag:s29] =	ssyncadd.s32 $0xFFFFFFFF  }
0xb5: {  	_ =	strace $0x9000004E  }
0xb6: {  	_ =	sfence  }
0xb7: {  	s30 =	sld [smem:$0x0];
	_ =	sdelay $0x2  }
0xb8: {  	s31 =	sshll.u32 s1, $0xD;
	s1 =	sshrl.u32 s1, $0x2  }
0xb9: {  	s3 =	sand.u32 $0x4000, s31;
	s1 =	sadd.s32 s1, s30  }
0xba: {  	s0 =	sor.u32 s3, s0;
	s1 =	sshll.u32 s1, $0x11  }
0xbb: {  	s0 =	sor.u32 s1, s0  }
0xbc: {  	s0 =	sadd.s32 $0x8F2B, s0  }
0xbd: {  	[sflag:s0] =	ssyncadd.remote.s32 $0x1  }
0xbe: {  	_ =	sfence.sel $0xFFFF  }
0xbf: {  	[dreg:$0x0] =	wrdreg $0xFFFFFFFF;
	(pc) =	sbr.abs _section_cstart, $3  }
0xc0: {  	[dreg:$0x1] =	wrdreg $0xFFFFFFFF  }
0xc1: {  	_ =	task.clear_ibuf [dreg:s6], $0x2FFFF;
	_ =	strace $0x9FFFFFFF  }
0xc2: {  	(tm) =	ssettm $0x7FFFFFFF  }
0xc3: {  	_ =	shalt  }
tec
execute0_lowered:
.L_overlay_start_1:
0x0: {  	(tag) =	ssettag $0x1  }
0x1: {  	s5 =	rddreg [dreg:$0x0]  }
0x2: {  	s2 =	rddreg [dreg:$0x1]  }
0x3: {  	s0 =	rddreg [dreg:$0x2];
	s4 =	srdreg.scid  }
0x4: {  	s1 =	stileid.u32;
	s3 =	simm.s32 $0x0;
	s14 =	simm.s32 $0x80  }
0x5: {  	s15 =	simm.s32 $0x5000;
	s16 =	simm.s32 $0x7000;
	s17 =	simm.s32 $0x1  }
0x6: {  	s18 =	simm.s32 $0x2;
	s19 =	simm.s32 $0x2780;
	s20 =	simm.s32 $0x4F00  }
0x7: {  	s21 =	simm.s32 $0x4F80;
	s22 =	simm.s32 $0x0;
	s4 =	sand.u32 $0x1, s4  }
0x8: {  	s6 =	smul.u32 $0xA000, s1;
	[smem:$0x7FF] =	sst s3;
	s7 =	sshll.u32 s1, $0x1  }
0x9: {  	s31 =	sshll.u32 s1, $0x6;
	s8 =	smul.u32 $0xA0000, s4;
	_ =	strace $0x8000004D  }
0xa: {  	s7 =	sor.u32 s4, s7;
	s9 =	ssub.s32 $0x2, s4;
	s4 =	sadd.s32 $0x4E800, s5  }
0xb: {  	s7 =	smul.u32 $0x500, s7;
	s10 =	sshrl.u32 s9, $0x1;
	s13 =	sadd.s32 s6, s2  }
0xc: {  	s30 =	sshrl.u32 s6, $0x3;
	s8 =	sadd.s32 s6, s8;
	s10 =	ssub.s32 s9, s10  }
0xd: {  	s6 =	sor.u32 $0x1C03, s31;
	s8 =	sshrl.u32 s8, $0x3;
	s11 =	sadd.s32 s7, s5  }
0xe: {  	s10 =	smax.u32 s10, $0x1;
	s12 =	sadd.s32 s8, s5;
	s5 =	sadd.s32 s4, s30  }
0xf: {  	s7 =	sadd.s32 $0x44800, s11;
	s8 =	sadd.s32 $0x3800, s11;
	s11 =	sshrl.u32 s13, $0x3  }
0x10: {  	s13 =	simm.s32 $0x2800;
	s9 =	sadd.s32 $0x62800, s12;
	s12 =	simm.s32 $0x3  }
.LBB2_1:
0x11: {  	[spmem:s11], [sflag:s6] =	dma.local [hbm:s5], $0x1400  }
0x12: {  	_ =	swait.ge [sflag:s12], $0x1400  }
0x13: {  	[sflag:s12] =	ssyncset.done $0x0  }
0x14: {  	[sflag:s12] =	ssyncadd.s32 $0xFFFFEC00  }
0x15: {  	[tilespmem:s3], [sflag:$0x3] =	stream.linear.gather [hbm4b:s7+s3], $0x2800, $0x38;
	[tilespmem:$0x13000] =	vst v63  }
0x16: {  	_ =	swait.ge [sflag:s12], $0x2800  }
0x17: {  	[sflag:s12] =	ssyncset.done $0x0  }
0x18: {  	[sflag:s12] =	ssyncadd.s32 $0xFFFFD800  }
0x19: {  	[tilespmem:s13], [sflag:$0x3] =	stream.linear.gather [hbm4b:s8+s3], $0x2800, $0x38;
	[tilespmem:$0x13000] =	vst v63  }
0x1a: {  	_ =	swait.ge [sflag:s12], $0x2800  }
0x1b: {  	[sflag:s12] =	ssyncset.done $0x0  }
0x1c: {  	[sflag:s12] =	ssyncadd.s32 $0xFFFFD800  }
0x1d: {  	[bflag:$0x0] =	sbarrier.arrive $0xFFFF  }
0x1e: {  	[tilespmem:s15], [sflag:$0x1] =	stream.indirect.gather [hbm4b:s4+s14], $0x40, s3, s14, $0xb8;
	[tilespmem:$0x13000] =	vst v63  }
0x1f: {  	s23 =	simm.s32 $0x80  }
0x20: {  	[tilespmem:s16], [sflag:$0x2] =	stream.indirect.gather [hbm4b:s4+s14], $0x40, s23, s14, $0xb8;
	[tilespmem:$0x13000] =	vst v63  }
0x21: {  	_ =	swait.ge [sflag:s17], $0x2000  }
0x22: {  	[sflag:s17] =	ssyncset.done $0x0  }
0x23: {  	s29 =	simm.s32 $0x2800;
	[sflag:s17] =	ssyncadd.s32 $0xFFFFE000  }
0x24: {  	[spmem:s2] =	stream.indirect.scatter.add.f32 [tilespmem:s15], [sflag:$0x3], $0x40, s29, s14, $0xb8;
	[tilespmem:$0x13000] =	vst v63  }
0x25: {  	_ =	swait.ge [sflag:s12], $0x2000  }
0x26: {  	[sflag:s12] =	ssyncset.done $0x0  }
0x27: {  	s30 =	simm.s32 $0x100;
	[sflag:s12] =	ssyncadd.s32 $0xFFFFE000  }
0x28: {  	[tilespmem:s15], [sflag:$0x1] =	stream.indirect.gather [hbm4b:s4+s14], $0x40, s30, s14, $0xb8;
	[tilespmem:$0x13000] =	vst v63  }
0x29: {  	_ =	swait.ge [sflag:s18], $0x2000  }
0x2a: {  	[sflag:s18] =	ssyncset.done $0x0  }
0x2b: {  	s31 =	simm.s32 $0x2880;
	[sflag:s18] =	ssyncadd.s32 $0xFFFFE000  }
0x2c: {  	[spmem:s2] =	stream.indirect.scatter.add.f32 [tilespmem:s16], [sflag:$0x3], $0x40, s31, s14, $0xb8;
	[tilespmem:$0x13000] =	vst v63  }
0x2d: {  	_ =	swait.ge [sflag:s12], $0x2000  }
0x2e: {  	s24 =	simm.s32 $0x800;
	s23 =	simm.s32 $0x100;
	[sflag:s12] =	ssyncset.done $0x0  }
.LBB2_2:
0x2f: {  	s25 =	sadd.s32 $0x80, s23  }
0x30: {  	[sflag:s12] =	ssyncadd.s32 $0xFFFFE000;
	s26 =	smov.u32 s24;
	s28 =	sadd.s32 $0x400, s24  }
0x31: {  	[tilespmem:s16], [sflag:$0x2] =	stream.indirect.gather [hbm4b:s4+s14], $0x40, s25, s14, $0xb8;
	[tilespmem:$0x13000] =	vst v63  }
0x32: {  	p0 =	sne.s32 s24, $0x9800;
	_ =	swait.ge [sflag:s17], $0x2000  }
0x33: {  	[sflag:s17] =	ssyncset.done $0x0  }
0x34: {  	s24 =	sadd.s32 $0x2800, s23;
	[sflag:s17] =	ssyncadd.s32 $0xFFFFE000  }
0x35: {  	[spmem:s2] =	stream.indirect.scatter.add.f32 [tilespmem:s15], [sflag:$0x3], $0x40, s24, s14, $0xb8;
	[tilespmem:$0x13000] =	vst v63  }
0x36: {  	_ =	swait.ge [sflag:s12], $0x2000  }
0x37: {  	[sflag:s12] =	ssyncset.done $0x0  }
0x38: {  	s24 =	sadd.s32 $0x100, s23;
	[sflag:s12] =	ssyncadd.s32 $0xFFFFE000  }
0x39: {  	[tilespmem:s15], [sflag:$0x1] =	stream.indirect.gather [hbm4b:s4+s14], $0x40, s24, s14, $0xb8;
	[tilespmem:$0x13000] =	vst v63  }
0x3a: {  	_ =	swait.ge [sflag:s18], $0x2000  }
.Ltmp0:
0x3b: {  	[sflag:s18] =	ssyncset.done $0x0;
	(pc) =	sbr.rel @p0 .LBB2_2-.Ltmp0, $4  }
0x3c: {  	s23 =	sadd.s32 $0x2880, s23;
	[sflag:s18] =	ssyncadd.s32 $0xFFFFE000  }
0x3d: {  	[spmem:s2] =	stream.indirect.scatter.add.f32 [tilespmem:s16], [sflag:$0x3], $0x40, s23, s14, $0xb8;
	[tilespmem:$0x13000] =	vst v63  }
0x3e: {  	_ =	swait.ge [sflag:s12], $0x2000  }
0x3f: {  	s24 =	smov.u32 s28;
	s23 =	sshra.s32 s26, $0x2;
	[sflag:s12] =	ssyncset.done $0x0  }
0x40: {  	s24 =	sadd.s32 $0x80, s23;
	[sflag:s12] =	ssyncadd.s32 $0xFFFFE000  }
0x41: {  	[tilespmem:s16], [sflag:$0x2] =	stream.indirect.gather [hbm4b:s4+s14], $0x40, s24, s14, $0xb8;
	[tilespmem:$0x13000] =	vst v63  }
0x42: {  	_ =	swait.ge [sflag:s17], $0x2000  }
0x43: {  	[sflag:s17] =	ssyncset.done $0x0  }
0x44: {  	s29 =	sadd.s32 $0x2800, s23;
	[sflag:s17] =	ssyncadd.s32 $0xFFFFE000  }
0x45: {  	[spmem:s2] =	stream.indirect.scatter.add.f32 [tilespmem:s15], [sflag:$0x3], $0x40, s29, s14, $0xb8;
	[tilespmem:$0x13000] =	vst v63  }
0x46: {  	_ =	swait.ge [sflag:s12], $0x2000  }
0x47: {  	[sflag:s12] =	ssyncset.done $0x0  }
0x48: {  	s30 =	sadd.s32 $0x100, s23;
	[sflag:s12] =	ssyncadd.s32 $0xFFFFE000  }
0x49: {  	[tilespmem:s15], [sflag:$0x1] =	stream.indirect.gather [hbm4b:s4+s14], $0x40, s30, s14, $0xb8;
	[tilespmem:$0x13000] =	vst v63  }
0x4a: {  	_ =	swait.ge [sflag:s18], $0x2000  }
0x4b: {  	[sflag:s18] =	ssyncset.done $0x0  }
0x4c: {  	s31 =	sadd.s32 $0x2880, s23;
	[sflag:s18] =	ssyncadd.s32 $0xFFFFE000  }
0x4d: {  	[spmem:s2] =	stream.indirect.scatter.add.f32 [tilespmem:s16], [sflag:$0x3], $0x40, s31, s14, $0xb8;
	[tilespmem:$0x13000] =	vst v63  }
0x4e: {  	_ =	swait.ge [sflag:s12], $0x2000  }
0x4f: {  	[sflag:s12] =	ssyncset.done $0x0  }
0x50: {  	[sflag:s12] =	ssyncadd.s32 $0xFFFFE000  }
0x51: {  	[tilespmem:s16], [sflag:$0x2] =	stream.indirect.gather [hbm4b:s4+s14], $0x40, s19, s14, $0xb8;
	[tilespmem:$0x13000] =	vst v63  }
0x52: {  	_ =	swait.ge [sflag:s17], $0x2000  }
0x53: {  	[sflag:s17] =	ssyncset.done $0x0  }
0x54: {  	[sflag:s17] =	ssyncadd.s32 $0xFFFFE000  }
0x55: {  	[spmem:s2] =	stream.indirect.scatter.add.f32 [tilespmem:s15], [sflag:$0x3], $0x40, s20, s14, $0xb8;
	[tilespmem:$0x13000] =	vst v63  }
0x56: {  	_ =	swait.ge [sflag:s12], $0x2000  }
0x57: {  	[sflag:s12] =	ssyncset.done $0x0  }
0x58: {  	[sflag:s12] =	ssyncadd.s32 $0xFFFFE000  }
0x59: {  	_ =	swait.ge [sflag:s18], $0x2000  }
0x5a: {  	[sflag:s18] =	ssyncset.done $0x0  }
0x5b: {  	[sflag:s18] =	ssyncadd.s32 $0xFFFFE000  }
0x5c: {  	[spmem:s2] =	stream.indirect.scatter.add.f32 [tilespmem:s16], [sflag:$0x3], $0x40, s21, s14, $0xb8;
	[tilespmem:$0x13000] =	vst v63  }
0x5d: {  	_ =	swait.ge [sflag:s12], $0x2000  }
0x5e: {  	s22 =	sadd.s32 $0x1, s22;
	[sflag:s12] =	ssyncset.done $0x0  }
0x5f: {  	p0 =	sne.s32 s22, s10;
	[sflag:s12] =	ssyncadd.s32 $0xFFFFE000  }
.Ltmp1:
0x60: {  	[bflag:$0x0] =	sbarrier.arrive $0xFFFF;
	(pc) =	sbr.rel @p0 .LBB2_1-.Ltmp1, $4  }
0x61: {  	[hbm:s9], [sflag:s6] =	dma.local [spmem:s11], $0x1400  }
0x62: {  	_ =	swait.ge [sflag:s12], $0x1400  }
0x63: {  	[sflag:s12] =	ssyncset.done $0x0  }
0x64: {  	[sflag:s12] =	ssyncadd.s32 $0xFFFFEC00  }
0x65: {  	_ =	sfence.sel $0x180000  }
0x66: {  	[bflag:$0x0] =	sbarrier.arrive $0xFFFF  }
0x67: {  	p0 =	sne.s32 s1, $0x0;
	_ =	strace $0x9000004D  }
0x68: {  	s0 =	sadd.s32 @!p0 $0x100000, s0;
	[bflag:$0x2] =	sbarrier.arrive $0xFFFF  }
0x69: {  	[sflag:s0] =	ssyncadd.tile.s32 @!p0 $0x1;
	_ =	shalt  }
.Lfunc_end2:
_tile_overlayer_lowered:
.L_overlay_start_2:
0x6a: {  	(tag) =	ssettag $0x2  }
0x6b: {  	s0 =	rddreg [dreg:$0x0];
	s2 =	stileid.u32  }
0x6c: {  	s1 =	rddreg [dreg:$0x1];
	p0 =	sne.s32 s2, $0x0  }
0x6d: {  	s3 =	rddreg [dreg:$0x2];
	[bflag:$0x3] =	sbarrier.arrive $0xFFFF;
	s2 =	simm.s32 @!p0 $0x1C03  }
0x6e: {  	[timem:s3], [sflag:s2] =	dma.local @!p0 [hbm:s0], s1  }
0x6f: {  	s0 =	simm.s32 @!p0 $0x3  }
0x70: {  	_ =	swait.ge @!p0 [sflag:s0], s1  }
0x71: {  	s1 =	ssub.s32 @!p0 $0x0, s1;
	[sflag:s0] =	ssyncset.done @!p0 $0x0  }
0x72: {  	[sflag:s0] =	ssyncadd.s32 @!p0 s1  }
0x73: {  	[bflag:$0x3] =	sbarrier.arrive $0xFFFF  }
0x74: {  	_ =	shalt  }

// kernel: kernel.19.cloned.1.call-start
scs
__scs_entry_jumppad:
0x0: {  	(pc) =	sbr.rel $0x88, $3  }
0x1: {  	(tag) =	ssettag $0x0;
	lr =	simm.s32 $0x1  }
0x2: {  	[smem:$0x3F96] =	sst lr;
	_ =	strace $0xD0000000  }
0x3: {  	_ = 	snop  }
0x4: {  	_ = 	snop  }
0x5: {  	_ = 	snop  }
0x6: {  	_ = 	snop  }
0x7: {  	_ = 	snop  }
__scs_overlays_trampoline_lowered:
0x8: {  	[smem:$0x3FA5] =	sst s0  }
0x9: {  	[smem:$0x3FA6] =	sst s1  }
0xa: {  	[smem:$0x3FA7] =	sst s2  }
0xb: {  	[smem:$0x3FA8] =	sst s3  }
0xc: {  	[smem:$0x3FA9] =	sst s4  }
0xd: {  	[smem:$0x3FAA] =	sst s5  }
0xe: {  	[smem:$0x3FAB] =	sst s6  }
0xf: {  	[smem:$0x3FAC] =	sst s7  }
0x10: {  	[smem:$0x3FAD] =	sst s8  }
0x11: {  	[smem:$0x3FAE] =	sst s9;
	s0 =	simm.s32 @!p0 $0x0  }
0x12: {  	s1 =	sld [smem:$0x3F94];
	s0 =	simm.s32 @p0 $0x1  }
0x13: {  	[smem:$0x3FAF] =	sst s0;
	s0 =	simm.s32 @!p1 $0x0  }
0x14: {  	s2 =	sld [smem:$0x3F93];
	s0 =	simm.s32 @p1 $0x1  }
0x15: {  	[smem:$0x3FB0] =	sst s0;
	s0 =	simm.s32 @!p2 $0x0  }
0x16: {  	s3 =	sld [smem:$0x3FDB];
	s0 =	simm.s32 @p2 $0x1  }
0x17: {  	s4 =	simm.s32 $0x1BF5;
	[smem:$0x3FB2] =	sst s0  }
0x18: {  	s0 =	sld [smem:$0x3F95];
	_ =	swait.ge [sflag:s4], $0x0  }
0x19: {  	s7 =	sld [smem:$0x3F96]  }
0x1a: {  	s8 =	sadd.s32 $0xFFFFE003, lr  }
0x1b: {  	s9 =	sadd.s32 $0xFFFFFEF7, lr;
	s5 =	simm.s32 $0xFFFFFFFF;
	p2 =	slt.u32 s8, $0xFFFFF086  }
0x1c: {  	p1 =	slt.u32 s9, $0xF7A;
	s5 =	simm.s32 @!p2 $0x0  }
0x1d: {  	s5 =	simm.s32 @p1 $0x1;
	p0 =	seq.s32 s7, s2  }
0x1e: {  	s7 =	smul.u32 @!p0 $0xF7A, s2;
	p2 =	seq.s32 @!p0 s5, $0x0  }
0x1f: {  	s9 =	smul.u32 $0xF7A, s1;
	s8 =	simm.s32 @!p0 $0x1BF5;
	p2 =	por !p2, p0  }
0x20: {  	[sflag:s8] =	ssyncset.s32 @!p0 $0xFFFFF086;
	s6 =	sadd.s32 @!p0 s3, s7;
	s7 =	simm.s32 @!p0 $0x108  }
0x21: {  	s3 =	sadd.s32 s3, s9;
	s6 =	sadd.s32 @!p0 $0x88, s6;
	s7 =	simm.s32 @p2 $0x1082  }
0x22: {  	[simem:s7], [sflag:s8] =	dma.local @!p0 [hbm:s6], $0xF7A  }
0x23: {  	s9 =	sor.u32 $0xD0000000, s2;
	s6 =	simm.s32 $0x108;
	_ =	swait.ge @!p0 [sflag:s8], $0x0  }
0x24: {  	s3 =	sadd.s32 $0x88, s3;
	s6 =	simm.s32 @!p1 $0x1082;
	[sflag:s4] =	ssyncset.s32 $0xFFFFF086  }
0x25: {  	[simem:s6], [sflag:s4] =	dma.local [hbm:s3], $0xF7A  }
0x26: {  	[smem:$0x3F96] =	sst s1;
	(tag) =	ssettag s2;
	_ =	strace s9  }
0x27: {  	s1 =	sld [smem:$0x3FA6]  }
0x28: {  	s2 =	sld [smem:$0x3FA7]  }
0x29: {  	s4 =	sld [smem:$0x3FA9]  }
0x2a: {  	p0 =	seq.s32 s5, $0x0;
	s5 =	sld [smem:$0x3FAA]  }
0x2b: {  	s6 =	sld [smem:$0x3FAB]  }
0x2c: {  	s7 =	sld [smem:$0x3FAC]  }
0x2d: {  	s3 =	simm.s32 $0x108;
	s8 =	sld [smem:$0x3FAD]  }
0x2e: {  	s3 =	simm.s32 @!p0 $0x1082;
	s9 =	sld [smem:$0x3FAE]  }
0x2f: {  	lr =	sadd.s32 s0, s3;
	s0 =	sld [smem:$0x3FA5]  }
0x30: {  	s3 =	sld [smem:$0x3FA8]  }
0x31: {  	[smem:$0x3FB1] =	sst s10  }
0x32: {  	s10 =	sld [smem:$0x3FAF];
	_ =	sdelay $0x3  }
0x33: {  	p0 =	seq.s32 s10, $0x1;
	s10 =	sld [smem:$0x3FB1];
	_ =	sdelay $0x3  }
0x34: {  	[smem:$0x3FB1] =	sst s10  }
0x35: {  	s10 =	sld [smem:$0x3FB0];
	_ =	sdelay $0x3  }
0x36: {  	p1 =	seq.s32 s10, $0x1;
	s10 =	sld [smem:$0x3FB1];
	_ =	sdelay $0x3  }
0x37: {  	[smem:$0x3FB1] =	sst s10  }
0x38: {  	s10 =	sld [smem:$0x3FB2]  }
0x39: {  	_ = 	snop;
	(pc) =	sbr.ind lr, $3  }
0x3a: {  	_ = 	snop  }
0x3b: {  	_ = 	snop  }
0x3c: {  	p2 =	seq.s32 s10, $0x1;
	s10 =	sld [smem:$0x3FB1]  }
0x3d: {  	_ =	shalt  }
0x3e: {  	_ =	shalt  }
0x3f: {  	_ =	shalt  }
0x40: {  	_ =	shalt  }
0x41: {  	_ =	shalt  }
0x42: {  	_ =	shalt  }
0x43: {  	_ =	shalt  }
0x44: {  	_ =	shalt  }
0x45: {  	_ =	shalt  }
0x46: {  	_ =	shalt  }
0x47: {  	_ =	shalt  }
0x48: {  	_ =	shalt  }
0x49: {  	_ =	shalt  }
0x4a: {  	_ =	shalt  }
0x4b: {  	_ =	shalt  }
0x4c: {  	_ =	shalt  }
0x4d: {  	_ =	shalt  }
0x4e: {  	_ =	shalt  }
0x4f: {  	_ =	shalt  }
0x50: {  	_ =	shalt  }
0x51: {  	_ =	shalt  }
0x52: {  	_ =	shalt  }
0x53: {  	_ =	shalt  }
0x54: {  	_ =	shalt  }
0x55: {  	_ =	shalt  }
0x56: {  	_ =	shalt  }
0x57: {  	_ =	shalt  }
0x58: {  	_ =	shalt  }
0x59: {  	_ =	shalt  }
0x5a: {  	_ =	shalt  }
0x5b: {  	_ =	shalt  }
0x5c: {  	_ =	shalt  }
0x5d: {  	_ =	shalt  }
0x5e: {  	_ =	shalt  }
0x5f: {  	_ =	shalt  }
0x60: {  	_ =	shalt  }
0x61: {  	_ =	shalt  }
0x62: {  	_ =	shalt  }
0x63: {  	_ =	shalt  }
0x64: {  	_ =	shalt  }
0x65: {  	_ =	shalt  }
0x66: {  	_ =	shalt  }
0x67: {  	_ =	shalt  }
0x68: {  	_ =	shalt  }
0x69: {  	_ =	shalt  }
0x6a: {  	_ =	shalt  }
0x6b: {  	_ =	shalt  }
0x6c: {  	_ =	shalt  }
0x6d: {  	_ =	shalt  }
0x6e: {  	_ =	shalt  }
0x6f: {  	_ =	shalt  }
0x70: {  	_ =	shalt  }
0x71: {  	_ =	shalt  }
0x72: {  	_ =	shalt  }
0x73: {  	_ =	shalt  }
0x74: {  	_ =	shalt  }
0x75: {  	_ =	shalt  }
0x76: {  	_ =	shalt  }
0x77: {  	_ =	shalt  }
0x78: {  	_ =	shalt  }
0x79: {  	_ =	shalt  }
0x7a: {  	_ =	shalt  }
0x7b: {  	_ =	shalt  }
0x7c: {  	_ =	shalt  }
0x7d: {  	_ =	shalt  }
0x7e: {  	_ =	shalt  }
0x7f: {  	_ =	shalt  }
0x80: {  	_ =	shalt  }
0x81: {  	_ =	shalt  }
0x82: {  	_ =	shalt  }
0x83: {  	_ =	shalt  }
0x84: {  	_ =	shalt  }
0x85: {  	_ =	shalt  }
0x86: {  	_ =	shalt  }
0x87: {  	_ =	shalt  }
.Lfunc_end0:
.L_simem_size_0:
called_computation.3_lowered:
.L_overlay_start_0:
0x88: {  	s2 =	sld [smem:$0x3FD9]  }
0x89: {  	s3 =	sld [smem:$0x3FFE];
	_ =	sdelay $0x1  }
0x8a: {  	s1 =	srdreg.scid  }
0x8b: {  	s0 =	sand.u32 $0x1, s1  }
0x8c: {  	s16 =	sshll.u32 s0, $0xA;
	s2 =	sadd.s32 s3, s2  }
0x8d: {  	s2 =	sadd.s32 s2, s16  }
0x8e: {  	[smem:$0x3FBD] =	sst s2  }
0x8f: {  	_ = 	snop  }
0x90: {  	(tm) =	ssettm $0x1  }
0x91: {  	s17 =	sld [smem:$0x3FFB];
	_ =	sdelay $0x3  }
0x92: {  	_ =	strace s17  }
0x93: {  	s2 =	sld [smem:$0x3FFC];
	_ =	sdelay $0x3  }
0x94: {  	_ =	strace s2  }
0x95: {  	s2 =	sld [smem:$0x3FFD];
	_ =	sdelay $0x3  }
0x96: {  	_ =	strace s2  }
0x97: {  	_ =	strace $0x8FFFFFFF  }
0x98: {  	s18 =	sld [smem:$0x3FDB];
	_ =	sdelay $0x1  }
0x99: {  	s19 =	simm.s32 $_scs_section_size  }
0x9a: {  	s4 =	simm.s32 $_size__tile_overlayer_lowered;
	s5 =	simm.s32 $_tile_overlayer_lowered  }
0x9b: {  	s22 =	simm.s32 $0x1BFF;
	s21 =	sshll.u32 s5, $0x1;
	s2 =	sadd.s32 s19, s18  }
0x9c: {  	s6 =	simm.s32 $0x0;
	s20 =	sshll.u32 s4, $0x1;
	s4 =	sadd.s32 s21, s2  }
0x9d: {  	[timem:s6], [sflag:s22] =	dma.local [hbm:s4], s20  }
0x9e: {  	_ =	swait.ge [sflag:s22], s20  }
0x9f: {  	s3 =	ssub.s32 $0x0, s20;
	[sflag:s22] =	ssyncset.done $0x0  }
0xa0: {  	[sflag:s22] =	ssyncadd.s32 s3;
	_ =	sdelay $0x1  }
0xa1: {  	s23 =	simm.s32 $0x1B8B  }
0xa2: {  	_ =	swait.ge [sflag:s23], $0x1  }
0xa3: {  	[sflag:s23] =	ssyncset.done $0x0  }
0xa4: {  	s25 =	simm.s32 $0x1B8E;
	s24 =	sld [smem:$0x3FFE];
	[sflag:s23] =	ssyncadd.s32 $0xFFFFFFFF  }
0xa5: {  	s26 =	simm.s32 $execute0_lowered;
	[smem:$0x3FD2] =	sst s25  }
0xa6: {  	s4 =	sshll.u32 s26, $0x1;
	_ =	strace $0x8000004F;
	[dreg:$0x1] =	wrdreg $0xFFFFFFFF  }
0xa7: {  	s28 =	simm.s32 $_size_execute0_lowered;
	s2 =	sadd.s32 s2, s4;
	[dreg:$0x0] =	wrdreg $0x0  }
0xa8: {  	s4 =	sshll.u32 s28, $0x1;
	[dreg:$0x2] =	wrdreg s2  }
0xa9: {  	[dreg:$0x3] =	wrdreg s4  }
0xaa: {  	[dreg:$0x4] =	wrdreg $0xC0  }
0xab: {  	_ =	task [dreg:s6], $0x5FFFF  }
0xac: {  	[dreg:$0x1] =	wrdreg $0xFFFFFFFF  }
0xad: {  	[dreg:$0x0] =	wrdreg $0x60  }
0xae: {  	[dreg:$0x2] =	wrdreg s24  }
0xaf: {  	[dreg:$0x3] =	wrdreg $0x90000  }
0xb0: {  	[dreg:$0x4] =	wrdreg $0x9  }
0xb1: {  	_ =	task.clear_ibuf [dreg:s6], $0x5FFFF;
	_ =	strace $0x9000004F  }
0xb2: {  	s29 =	simm.s32 $0x9;
	_ =	strace $0x80000051  }
0xb3: {  	_ =	swait.ge [sflag:s29], $0x1  }
0xb4: {  	[sflag:s29] =	ssyncadd.s32 $0xFFFFFFFF  }
0xb5: {  	_ =	strace $0x90000051  }
0xb6: {  	_ =	sfence  }
0xb7: {  	s30 =	sld [smem:$0x0];
	_ =	sdelay $0x2  }
0xb8: {  	s31 =	sshll.u32 s1, $0xD;
	s1 =	sshrl.u32 s1, $0x2  }
0xb9: {  	s3 =	sand.u32 $0x4000, s31;
	s1 =	sadd.s32 s1, s30  }
0xba: {  	s0 =	sor.u32 s3, s0;
	s1 =	sshll.u32 s1, $0x11  }
0xbb: {  	s0 =	sor.u32 s1, s0  }
0xbc: {  	s0 =	sadd.s32 $0x8F2B, s0  }
0xbd: {  	[sflag:s0] =	ssyncadd.remote.s32 $0x1  }
0xbe: {  	_ =	sfence.sel $0xFFFF  }
0xbf: {  	[dreg:$0x0] =	wrdreg $0xFFFFFFFF;
	(pc) =	sbr.abs _section_cstart, $3  }
0xc0: {  	[dreg:$0x1] =	wrdreg $0xFFFFFFFF  }
0xc1: {  	_ =	task.clear_ibuf [dreg:s6], $0x2FFFF;
	_ =	strace $0x9FFFFFFF  }
0xc2: {  	(tm) =	ssettm $0x7FFFFFFF  }
0xc3: {  	_ =	shalt  }
tec
execute0_lowered:
.L_overlay_start_1:
0x0: {  	(tag) =	ssettag $0x1  }
0x1: {  	s5 =	rddreg [dreg:$0x0]  }
0x2: {  	s2 =	rddreg [dreg:$0x1]  }
0x3: {  	s0 =	rddreg [dreg:$0x2];
	s4 =	srdreg.scid  }
0x4: {  	s1 =	stileid.u32;
	s3 =	simm.s32 $0x0;
	s14 =	simm.s32 $0x80  }
0x5: {  	s15 =	simm.s32 $0x5000;
	s16 =	simm.s32 $0x7000;
	s17 =	simm.s32 $0x1  }
0x6: {  	s18 =	simm.s32 $0x2;
	s19 =	simm.s32 $0x2780;
	s20 =	simm.s32 $0x4F00  }
0x7: {  	s21 =	simm.s32 $0x4F80;
	s22 =	simm.s32 $0x0;
	s4 =	sand.u32 $0x1, s4  }
0x8: {  	s6 =	smul.u32 $0xA000, s1;
	[smem:$0x7FF] =	sst s3;
	s7 =	sshll.u32 s1, $0x1  }
0x9: {  	s31 =	sshll.u32 s1, $0x6;
	s8 =	smul.u32 $0xA0000, s4;
	_ =	strace $0x80000050  }
0xa: {  	s7 =	sor.u32 s4, s7;
	s9 =	ssub.s32 $0x2, s4;
	s4 =	sadd.s32 $0x4E800, s5  }
0xb: {  	s7 =	smul.u32 $0x500, s7;
	s10 =	sshrl.u32 s9, $0x1;
	s13 =	sadd.s32 s6, s2  }
0xc: {  	s30 =	sshrl.u32 s6, $0x3;
	s8 =	sadd.s32 s6, s8;
	s10 =	ssub.s32 s9, s10  }
0xd: {  	s6 =	sor.u32 $0x1C03, s31;
	s8 =	sshrl.u32 s8, $0x3;
	s11 =	sadd.s32 s7, s5  }
0xe: {  	s10 =	smax.u32 s10, $0x1;
	s12 =	sadd.s32 s8, s5;
	s5 =	sadd.s32 s4, s30  }
0xf: {  	s7 =	sadd.s32 $0x44800, s11;
	s8 =	sadd.s32 $0x3800, s11;
	s11 =	sshrl.u32 s13, $0x3  }
0x10: {  	s13 =	simm.s32 $0x2800;
	s9 =	sadd.s32 $0x62800, s12;
	s12 =	simm.s32 $0x3  }
.LBB2_1:
0x11: {  	[spmem:s11], [sflag:s6] =	dma.local [hbm:s5], $0x1400  }
0x12: {  	_ =	swait.ge [sflag:s12], $0x1400  }
0x13: {  	[sflag:s12] =	ssyncset.done $0x0  }
0x14: {  	[sflag:s12] =	ssyncadd.s32 $0xFFFFEC00  }
0x15: {  	[tilespmem:s3], [sflag:$0x3] =	stream.linear.gather [hbm4b:s7+s3], $0x2800, $0x38;
	[tilespmem:$0x13000] =	vst v63  }
0x16: {  	_ =	swait.ge [sflag:s12], $0x2800  }
0x17: {  	[sflag:s12] =	ssyncset.done $0x0  }
0x18: {  	[sflag:s12] =	ssyncadd.s32 $0xFFFFD800  }
0x19: {  	[tilespmem:s13], [sflag:$0x3] =	stream.linear.gather [hbm4b:s8+s3], $0x2800, $0x38;
	[tilespmem:$0x13000] =	vst v63  }
0x1a: {  	_ =	swait.ge [sflag:s12], $0x2800  }
0x1b: {  	[sflag:s12] =	ssyncset.done $0x0  }
0x1c: {  	[sflag:s12] =	ssyncadd.s32 $0xFFFFD800  }
0x1d: {  	[bflag:$0x0] =	sbarrier.arrive $0xFFFF  }
0x1e: {  	[tilespmem:s15], [sflag:$0x1] =	stream.indirect.gather [hbm4b:s4+s14], $0x40, s3, s14, $0xb8;
	[tilespmem:$0x13000] =	vst v63  }
0x1f: {  	s23 =	simm.s32 $0x80  }
0x20: {  	[tilespmem:s16], [sflag:$0x2] =	stream.indirect.gather [hbm4b:s4+s14], $0x40, s23, s14, $0xb8;
	[tilespmem:$0x13000] =	vst v63  }
0x21: {  	_ =	swait.ge [sflag:s17], $0x2000  }
0x22: {  	[sflag:s17] =	ssyncset.done $0x0  }
0x23: {  	s29 =	simm.s32 $0x2800;
	[sflag:s17] =	ssyncadd.s32 $0xFFFFE000  }
0x24: {  	[spmem:s2] =	stream.indirect.scatter.add.f32 [tilespmem:s15], [sflag:$0x3], $0x40, s29, s14, $0xb8;
	[tilespmem:$0x13000] =	vst v63  }
0x25: {  	_ =	swait.ge [sflag:s12], $0x2000  }
0x26: {  	[sflag:s12] =	ssyncset.done $0x0  }
0x27: {  	s30 =	simm.s32 $0x100;
	[sflag:s12] =	ssyncadd.s32 $0xFFFFE000  }
0x28: {  	[tilespmem:s15], [sflag:$0x1] =	stream.indirect.gather [hbm4b:s4+s14], $0x40, s30, s14, $0xb8;
	[tilespmem:$0x13000] =	vst v63  }
0x29: {  	_ =	swait.ge [sflag:s18], $0x2000  }
0x2a: {  	[sflag:s18] =	ssyncset.done $0x0  }
0x2b: {  	s31 =	simm.s32 $0x2880;
	[sflag:s18] =	ssyncadd.s32 $0xFFFFE000  }
0x2c: {  	[spmem:s2] =	stream.indirect.scatter.add.f32 [tilespmem:s16], [sflag:$0x3], $0x40, s31, s14, $0xb8;
	[tilespmem:$0x13000] =	vst v63  }
0x2d: {  	_ =	swait.ge [sflag:s12], $0x2000  }
0x2e: {  	s24 =	simm.s32 $0x800;
	s23 =	simm.s32 $0x100;
	[sflag:s12] =	ssyncset.done $0x0  }
.LBB2_2:
0x2f: {  	s25 =	sadd.s32 $0x80, s23  }
0x30: {  	[sflag:s12] =	ssyncadd.s32 $0xFFFFE000;
	s26 =	smov.u32 s24;
	s28 =	sadd.s32 $0x400, s24  }
0x31: {  	[tilespmem:s16], [sflag:$0x2] =	stream.indirect.gather [hbm4b:s4+s14], $0x40, s25, s14, $0xb8;
	[tilespmem:$0x13000] =	vst v63  }
0x32: {  	p0 =	sne.s32 s24, $0x9800;
	_ =	swait.ge [sflag:s17], $0x2000  }
0x33: {  	[sflag:s17] =	ssyncset.done $0x0  }
0x34: {  	s24 =	sadd.s32 $0x2800, s23;
	[sflag:s17] =	ssyncadd.s32 $0xFFFFE000  }
0x35: {  	[spmem:s2] =	stream.indirect.scatter.add.f32 [tilespmem:s15], [sflag:$0x3], $0x40, s24, s14, $0xb8;
	[tilespmem:$0x13000] =	vst v63  }
0x36: {  	_ =	swait.ge [sflag:s12], $0x2000  }
0x37: {  	[sflag:s12] =	ssyncset.done $0x0  }
0x38: {  	s24 =	sadd.s32 $0x100, s23;
	[sflag:s12] =	ssyncadd.s32 $0xFFFFE000  }
0x39: {  	[tilespmem:s15], [sflag:$0x1] =	stream.indirect.gather [hbm4b:s4+s14], $0x40, s24, s14, $0xb8;
	[tilespmem:$0x13000] =	vst v63  }
0x3a: {  	_ =	swait.ge [sflag:s18], $0x2000  }
.Ltmp0:
0x3b: {  	[sflag:s18] =	ssyncset.done $0x0;
	(pc) =	sbr.rel @p0 .LBB2_2-.Ltmp0, $4  }
0x3c: {  	s23 =	sadd.s32 $0x2880, s23;
	[sflag:s18] =	ssyncadd.s32 $0xFFFFE000  }
0x3d: {  	[spmem:s2] =	stream.indirect.scatter.add.f32 [tilespmem:s16], [sflag:$0x3], $0x40, s23, s14, $0xb8;
	[tilespmem:$0x13000] =	vst v63  }
0x3e: {  	_ =	swait.ge [sflag:s12], $0x2000  }
0x3f: {  	s24 =	smov.u32 s28;
	s23 =	sshra.s32 s26, $0x2;
	[sflag:s12] =	ssyncset.done $0x0  }
0x40: {  	s24 =	sadd.s32 $0x80, s23;
	[sflag:s12] =	ssyncadd.s32 $0xFFFFE000  }
0x41: {  	[tilespmem:s16], [sflag:$0x2] =	stream.indirect.gather [hbm4b:s4+s14], $0x40, s24, s14, $0xb8;
	[tilespmem:$0x13000] =	vst v63  }
0x42: {  	_ =	swait.ge [sflag:s17], $0x2000  }
0x43: {  	[sflag:s17] =	ssyncset.done $0x0  }
0x44: {  	s29 =	sadd.s32 $0x2800, s23;
	[sflag:s17] =	ssyncadd.s32 $0xFFFFE000  }
0x45: {  	[spmem:s2] =	stream.indirect.scatter.add.f32 [tilespmem:s15], [sflag:$0x3], $0x40, s29, s14, $0xb8;
	[tilespmem:$0x13000] =	vst v63  }
0x46: {  	_ =	swait.ge [sflag:s12], $0x2000  }
0x47: {  	[sflag:s12] =	ssyncset.done $0x0  }
0x48: {  	s30 =	sadd.s32 $0x100, s23;
	[sflag:s12] =	ssyncadd.s32 $0xFFFFE000  }
0x49: {  	[tilespmem:s15], [sflag:$0x1] =	stream.indirect.gather [hbm4b:s4+s14], $0x40, s30, s14, $0xb8;
	[tilespmem:$0x13000] =	vst v63  }
0x4a: {  	_ =	swait.ge [sflag:s18], $0x2000  }
0x4b: {  	[sflag:s18] =	ssyncset.done $0x0  }
0x4c: {  	s31 =	sadd.s32 $0x2880, s23;
	[sflag:s18] =	ssyncadd.s32 $0xFFFFE000  }
0x4d: {  	[spmem:s2] =	stream.indirect.scatter.add.f32 [tilespmem:s16], [sflag:$0x3], $0x40, s31, s14, $0xb8;
	[tilespmem:$0x13000] =	vst v63  }
0x4e: {  	_ =	swait.ge [sflag:s12], $0x2000  }
0x4f: {  	[sflag:s12] =	ssyncset.done $0x0  }
0x50: {  	[sflag:s12] =	ssyncadd.s32 $0xFFFFE000  }
0x51: {  	[tilespmem:s16], [sflag:$0x2] =	stream.indirect.gather [hbm4b:s4+s14], $0x40, s19, s14, $0xb8;
	[tilespmem:$0x13000] =	vst v63  }
0x52: {  	_ =	swait.ge [sflag:s17], $0x2000  }
0x53: {  	[sflag:s17] =	ssyncset.done $0x0  }
0x54: {  	[sflag:s17] =	ssyncadd.s32 $0xFFFFE000  }
0x55: {  	[spmem:s2] =	stream.indirect.scatter.add.f32 [tilespmem:s15], [sflag:$0x3], $0x40, s20, s14, $0xb8;
	[tilespmem:$0x13000] =	vst v63  }
0x56: {  	_ =	swait.ge [sflag:s12], $0x2000  }
0x57: {  	[sflag:s12] =	ssyncset.done $0x0  }
0x58: {  	[sflag:s12] =	ssyncadd.s32 $0xFFFFE000  }
0x59: {  	_ =	swait.ge [sflag:s18], $0x2000  }
0x5a: {  	[sflag:s18] =	ssyncset.done $0x0  }
0x5b: {  	[sflag:s18] =	ssyncadd.s32 $0xFFFFE000  }
0x5c: {  	[spmem:s2] =	stream.indirect.scatter.add.f32 [tilespmem:s16], [sflag:$0x3], $0x40, s21, s14, $0xb8;
	[tilespmem:$0x13000] =	vst v63  }
0x5d: {  	_ =	swait.ge [sflag:s12], $0x2000  }
0x5e: {  	s22 =	sadd.s32 $0x1, s22;
	[sflag:s12] =	ssyncset.done $0x0  }
0x5f: {  	p0 =	sne.s32 s22, s10;
	[sflag:s12] =	ssyncadd.s32 $0xFFFFE000  }
.Ltmp1:
0x60: {  	[bflag:$0x0] =	sbarrier.arrive $0xFFFF;
	(pc) =	sbr.rel @p0 .LBB2_1-.Ltmp1, $4  }
0x61: {  	[hbm:s9], [sflag:s6] =	dma.local [spmem:s11], $0x1400  }
0x62: {  	_ =	swait.ge [sflag:s12], $0x1400  }
0x63: {  	[sflag:s12] =	ssyncset.done $0x0  }
0x64: {  	[sflag:s12] =	ssyncadd.s32 $0xFFFFEC00  }
0x65: {  	_ =	sfence.sel $0x180000  }
0x66: {  	[bflag:$0x0] =	sbarrier.arrive $0xFFFF  }
0x67: {  	p0 =	sne.s32 s1, $0x0;
	_ =	strace $0x90000050  }
0x68: {  	s0 =	sadd.s32 @!p0 $0x100000, s0;
	[bflag:$0x2] =	sbarrier.arrive $0xFFFF  }
0x69: {  	[sflag:s0] =	ssyncadd.tile.s32 @!p0 $0x1;
	_ =	shalt  }
.Lfunc_end2:
_tile_overlayer_lowered:
.L_overlay_start_2:
0x6a: {  	(tag) =	ssettag $0x2  }
0x6b: {  	s0 =	rddreg [dreg:$0x0];
	s2 =	stileid.u32  }
0x6c: {  	s1 =	rddreg [dreg:$0x1];
	p0 =	sne.s32 s2, $0x0  }
0x6d: {  	s3 =	rddreg [dreg:$0x2];
	[bflag:$0x3] =	sbarrier.arrive $0xFFFF;
	s2 =	simm.s32 @!p0 $0x1C03  }
0x6e: {  	[timem:s3], [sflag:s2] =	dma.local @!p0 [hbm:s0], s1  }
0x6f: {  	s0 =	simm.s32 @!p0 $0x3  }
0x70: {  	_ =	swait.ge @!p0 [sflag:s0], s1  }
0x71: {  	s1 =	ssub.s32 @!p0 $0x0, s1;
	[sflag:s0] =	ssyncset.done @!p0 $0x0  }
0x72: {  	[sflag:s0] =	ssyncadd.s32 @!p0 s1  }
0x73: {  	[bflag:$0x3] =	sbarrier.arrive $0xFFFF  }
0x74: {  	_ =	shalt  }

</sc_bundles>
